<compile_context>
chip_gen: v7x
topology: tpu7x:2x2x1
jax: 0.10.2.dev20260603
libtpu: 0.0.44.dev20260713+nightly
codegen_flags: <defaults>
</compile_context>

<pallas_src>
import functools

import jax
import jax.numpy as jnp
from jax import lax
from jax.experimental import pallas as pl
from jax.experimental.pallas import tpu as pltpu
from jax.experimental.pallas import tpu_sc as plsc

B = 1024
CIN = 128
L = 256
D = 64
K = 8192
BETA = 0.25

_HI = lax.Precision.HIGHEST

TB = 32
TK = 1024


def _lr(h):
    return jnp.where(h >= 0, h, 0.001 * h)


def _split_bf16(a):
    hi = a.astype(jnp.bfloat16)
    lo = (a - hi.astype(jnp.float32)).astype(jnp.bfloat16)
    return hi, lo


def _dot1(a, b, dims=(((1,), (0,)), ((), ()))):
    return lax.dot_general(a.astype(jnp.bfloat16), b.astype(jnp.bfloat16),
                           dims, preferred_element_type=jnp.float32)


SUB = 1


def _enc_body(x_ref, w1_ref, w2_ref, w3_ref, z_ref):
    bf = jnp.bfloat16
    dims = (((1,), (0,)), ((), ()))
    w1 = w1_ref[...]
    w2 = w2_ref[...]
    w3 = w3_ref[...]
    nb = TB // SUB
    zcols = []
    for s in range(SUB):
        X = jnp.concatenate(
            [x_ref[i].astype(bf) for i in range(s * nb, (s + 1) * nb)],
            axis=1)
        h = lax.dot_general(w1, X, dims, preferred_element_type=jnp.float32)
        h = _lr(h).astype(bf)
        h = lax.dot_general(w2, h, dims, preferred_element_type=jnp.float32)
        h = _lr(h).astype(bf)
        h = lax.dot_general(w3, h, dims, preferred_element_type=jnp.float32)
        zcols += [jnp.max(h[:, i * L:(i + 1) * L], axis=1, keepdims=True)
                  for i in range(nb)]
    zt = jnp.concatenate(zcols, axis=1)
    z_ref[...] = zt.T


def _encoder(x, ew1, eb1, ew2, eb2, ew3, eb3):
    bf = jnp.bfloat16
    return pl.pallas_call(
        _enc_body,
        grid=(B // TB,),
        in_specs=[
            pl.BlockSpec((TB, CIN, L), lambda i: (i, 0, 0)),
            pl.BlockSpec((64, CIN), lambda i: (0, 0)),
            pl.BlockSpec((128, 64), lambda i: (0, 0)),
            pl.BlockSpec((D, 128), lambda i: (0, 0)),
        ],
        out_specs=pl.BlockSpec((TB, D), lambda i: (i, 0)),
        out_shape=jax.ShapeDtypeStruct((B, D), jnp.float32),
    )(x, ew1.astype(bf), ew2.astype(bf), ew3.astype(bf))


def _vq_body(z_ref, cb_ref, cbsq_ref, idx_ref, best_ref):
    k = pl.program_id(0)
    z = z_ref[...]
    mm = _dot1(z, cb_ref[...], (((1,), (1,)), ((), ())))
    zsq = jnp.sum(z * z, axis=1, keepdims=True)
    d = (zsq + cbsq_ref[...]) - 2.0 * mm
    m = jnp.min(d, axis=1, keepdims=True)
    iota = lax.broadcasted_iota(jnp.int32, (B, TK), 1)
    li = jnp.min(jnp.where(d == m, iota, K), axis=1, keepdims=True) + k * TK

    @pl.when(k == 0)
    def _():
        best_ref[...] = m
        idx_ref[...] = li

    @pl.when(k > 0)
    def _():
        upd = m < best_ref[...]
        best_ref[...] = jnp.where(upd, m, best_ref[...])
        idx_ref[...] = jnp.where(upd, li, idx_ref[...])


def _vq_argmin(z, codebook):
    cbsq = jnp.sum(codebook ** 2, axis=1)[None, :]
    return pl.pallas_call(
        _vq_body,
        grid=(K // TK,),
        in_specs=[
            pl.BlockSpec((B, D), lambda k: (0, 0)),
            pl.BlockSpec((TK, D), lambda k: (k, 0)),
            pl.BlockSpec((1, TK), lambda k: (0, k)),
        ],
        out_specs=pl.BlockSpec((B, 1), lambda k: (0, 0)),
        out_shape=jax.ShapeDtypeStruct((B, 1), jnp.int32),
        scratch_shapes=[pltpu.VMEM((B, 1), jnp.float32)],
    )(z, codebook, cbsq)


def _sc_gather(codebook_pad, idx):
    info = plsc.get_sparse_core_info()
    nc, ns = info.num_cores, info.num_subcores
    nw = nc * ns
    bpw = B // nw
    mesh = plsc.VectorSubcoreMesh(core_axis_name="c", subcore_axis_name="s")

    @functools.partial(
        pl.kernel,
        mesh=mesh,
        out_type=jax.ShapeDtypeStruct((B, D), jnp.float32),
        scratch_types=[
            pltpu.VMEM((bpw,), jnp.int32),
            pltpu.VMEM((bpw, D), jnp.float32),
            pltpu.SemaphoreType.DMA,
        ],
        compiler_params=pltpu.CompilerParams(use_tc_tiling_on_sc=False),
    )
    def gather_k(table_hbm, idx_hbm, out_hbm, idx_v, rows_v, sem):
        wid = lax.axis_index("s") * nc + lax.axis_index("c")
        base = wid * bpw
        pltpu.sync_copy(idx_hbm.at[pl.ds(base, bpw)], idx_v)
        pltpu.async_copy(table_hbm.at[idx_v], rows_v, sem).wait()
        pltpu.sync_copy(rows_v, out_hbm.at[pl.ds(base, bpw)])

    return gather_k(codebook_pad, idx)


def _dec_body(z_ref, zq_ref, w1_ref, b1_ref, w2_ref, b2_ref, w3_ref, b3_ref,
              xr_ref, loss_ref):
    z = z_ref[...]
    zq = zq_ref[...]
    diff = zq - z
    loss_ref[0, 0] = (1.0 + BETA) * jnp.sum(diff * diff) / (B * D)
    h = _lr(_dot1(zq, w1_ref[...]) + b1_ref[...])
    h = _lr(_dot1(h, w2_ref[...]) + b2_ref[...])
    xr_ref[...] = _dot1(h, w3_ref[...]) + b3_ref[...]


def _decoder(z, zq, dw1, db1, dw2, db2, dw3, db3):
    return pl.pallas_call(
        _dec_body,
        in_specs=[
            pl.BlockSpec((B, D), lambda: (0, 0)),
            pl.BlockSpec((B, D), lambda: (0, 0)),
            pl.BlockSpec((D, 128), lambda: (0, 0)),
            pl.BlockSpec((1, 128), lambda: (0, 0)),
            pl.BlockSpec((128, 64), lambda: (0, 0)),
            pl.BlockSpec((1, 64), lambda: (0, 0)),
            pl.BlockSpec((64, CIN), lambda: (0, 0)),
            pl.BlockSpec((1, CIN), lambda: (0, 0)),
        ],
        out_specs=[
            pl.BlockSpec((B, CIN), lambda: (0, 0)),
            pl.BlockSpec(memory_space=pltpu.SMEM),
        ],
        out_shape=[
            jax.ShapeDtypeStruct((B, CIN), jnp.float32),
            jax.ShapeDtypeStruct((1, 1), jnp.float32),
        ],
    )(z, zq, dw1, db1[None, :], dw2, db2[None, :], dw3, db3[None, :])


def kernel(x, ew1, eb1, ew2, eb2, ew3, eb3, codebook, dw1, db1, dw2, db2,
           dw3, db3):
    z = _encoder(x, ew1, eb1, ew2, eb2, ew3, eb3)
    idx = _vq_argmin(z, codebook)
    zq = _sc_gather(codebook, idx.reshape(B))
    xr, loss = _decoder(z, zq, dw1, db1, dw2, db2, dw3, db3)
    return (xr[:, :, None], loss.reshape(()), z, D)

# --- scband reference (transcript-rebuilt; emitter-appended) ---
"""Pipeline reference for scband-vqvae-24885040513214 (READ-ONLY COPY).

The authoritative reference and input builder live on the scoring server;
editing this copy changes nothing except your own understanding.
"""

import jax, jax.numpy as jnp
import numpy as np

B = 1024
CIN = 128
L = 256
D = 64
K = 8192
BETA = 0.25


def _lrelu(h):
    return jnp.where(h >= 0, h, 0.001 * h)


def setup_inputs(seed: int = 0) -> dict:
    key = jax.random.key(seed)
    ks = jax.random.split(key, 10)
    x = jax.random.normal(ks[0], (B, CIN, L), dtype=jnp.float32)
    ew1 = jax.random.normal(ks[1], (64, CIN), dtype=jnp.float32) * 0.05
    eb1 = jnp.zeros((64,), jnp.float32)
    ew2 = jax.random.normal(ks[2], (128, 64), dtype=jnp.float32) * 0.05
    eb2 = jnp.zeros((128,), jnp.float32)
    ew3 = jax.random.normal(ks[3], (D, 128), dtype=jnp.float32) * 0.05
    eb3 = jnp.zeros((D,), jnp.float32)
    codebook = jax.random.uniform(ks[4], (K, D), dtype=jnp.float32, minval=-1.0 / K, maxval=1.0 / K)
    dw1 = jax.random.normal(ks[5], (D, 128), dtype=jnp.float32) * 0.05
    db1 = jnp.zeros((128,), jnp.float32)
    dw2 = jax.random.normal(ks[6], (128, 64), dtype=jnp.float32) * 0.05
    db2 = jnp.zeros((64,), jnp.float32)
    dw3 = jax.random.normal(ks[7], (64, CIN), dtype=jnp.float32) * 0.05
    db3 = jnp.zeros((CIN,), jnp.float32)
    return {"x": x, "ew1": ew1, "eb1": eb1, "ew2": ew2, "eb2": eb2, "ew3": ew3, "eb3": eb3,
            "codebook": codebook, "dw1": dw1, "db1": db1, "dw2": dw2, "db2": db2, "dw3": dw3, "db3": db3}


def reference(x, ew1, eb1, ew2, eb2, ew3, eb3, codebook, dw1, db1, dw2, db2, dw3, db3):
    # encoder: pointwise (kernel_size=1) Conv1d stack + AdaptiveMaxPool1d(1)
    h = _lrelu(jnp.einsum('bcl,oc->bol', x, ew1) + eb1[None, :, None])
    h = _lrelu(jnp.einsum('bcl,oc->bol', h, ew2) + eb2[None, :, None])
    h = jnp.einsum('bcl,oc->bol', h, ew3) + eb3[None, :, None]
    z = jnp.max(h, axis=2)  # squeeze(-1) after adaptive max pool -> [B, D]
    # vector quantizer
    d = jnp.sum(z ** 2, axis=1, keepdims=True) + jnp.sum(codebook ** 2, axis=1)[None, :] - 2.0 * (z @ codebook.T)
    idx = jnp.argmin(d, axis=1)
    zq = jnp.take(codebook, idx, axis=0)
    loss = jnp.mean((jax.lax.stop_gradient(zq) - z) ** 2) + BETA * jnp.mean((zq - jax.lax.stop_gradient(z)) ** 2)
    zq_st = z + jax.lax.stop_gradient(zq - z)  # straight-through
    # decoder: pointwise ConvTranspose1d stack on [B, D, 1]
    hq = zq_st[:, :, None]
    h = _lrelu(jnp.einsum('bil,io->bol', hq, dw1) + db1[None, :, None])
    h = _lrelu(jnp.einsum('bil,io->bol', h, dw2) + db2[None, :, None])
    x_recon = jnp.einsum('bil,io->bol', h, dw3) + db3[None, :, None]
    return (x_recon, loss, z, D)

if __name__ == "__main__":
    import jax
    _d = setup_inputs()
    print(jax.jit(kernel)(*tuple(_d.values())))

</pallas_src>

<mosaic_0001>
#map = affine_map<(d0, d1) -> (0, 0)>
#map1 = affine_map<(d0, d1) -> (0)>
module attributes {stable_mosaic.version = 14 : i64} {
  func.func @gather_k(%arg0: i32, %arg1: i32, %arg2: memref<8192x64xf32, #tpu.memory_space<hbm>>, %arg3: memref<1024xi32, #tpu.memory_space<hbm>>, %arg4: memref<1024x64xf32, #tpu.memory_space<hbm>>, %arg5: memref<32xi32, #tpu.memory_space<vmem>>, %arg6: memref<32x64xf32, #tpu.memory_space<vmem>>, %arg7: memref<!tpu.dma_semaphore, #tpu.memory_space<semaphore_mem>>) attributes {dimension_semantics = [#tpu.dimension_semantics<core_parallel>, #tpu.dimension_semantics<subcore_parallel>], iteration_bounds = array<i64: 2, 16>, scalar_prefetch = 0 : i64, scratch_operands = 3 : i64, tpu.core_type = #tpu.core_type<sc_vector_subcore>, window_params = [{transform_indices = #map}, {transform_indices = #map1}, {transform_indices = #map}]} {
    %mul3A = arith.constant 2 : i32
    %mul3A_0 = arith.muli %arg1, %mul3A : i32
    %add3A = arith.addi %mul3A_0, %arg0 : i32
    %mul3A_1 = arith.constant 32 : i32
    %mul3A_2 = arith.muli %add3A, %mul3A_1 : i32
    "tpu.region"() ({
      %run_scoped3A = tpu.sem_alloc : memref<!tpu.dma_semaphore, #tpu.memory_space<semaphore_mem>>
      %dma_start3A_7 = tpu.memref_slice %arg3[%mul3A_2] : memref<1024xi32, #tpu.memory_space<hbm>> -> memref<32xi32, #tpu.memory_space<hbm>>
      %dma_start3A_8 = tpu.memref_slice %arg3[%mul3A_2] : memref<1024xi32, #tpu.memory_space<hbm>> -> memref<32xi32, #tpu.memory_space<hbm>>
      tpu.enqueue_dma source(%dma_start3A_8 : memref<32xi32, #tpu.memory_space<hbm>>) target(%arg5 : memref<32xi32, #tpu.memory_space<vmem>>) target_semaphore(%run_scoped3A : memref<!tpu.dma_semaphore, #tpu.memory_space<semaphore_mem>>)
      %dma_wait3A_9 = tpu.memref_slice %arg3[%mul3A_2] : memref<1024xi32, #tpu.memory_space<hbm>> -> memref<32xi32, #tpu.memory_space<hbm>>
      %dma_wait3A_10 = tpu.memref_slice %arg3[%mul3A_2] : memref<1024xi32, #tpu.memory_space<hbm>> -> memref<32xi32, #tpu.memory_space<hbm>>
      tpu.wait_dma2 semaphore(%run_scoped3A : memref<!tpu.dma_semaphore, #tpu.memory_space<semaphore_mem>>) src(%dma_wait3A_10 : memref<32xi32, #tpu.memory_space<hbm>>) dst(%arg5 : memref<32xi32, #tpu.memory_space<vmem>>)
      tpu.yield
    }) : () -> ()
    %dma_start3A = arith.constant 0 : i32
    %dma_start3A_3 = arith.constant 0 : i32
    %dma_start3A_4 = tpu.memref_slice %arg2[%dma_start3A, %dma_start3A_3] : memref<8192x64xf32, #tpu.memory_space<hbm>> -> memref<8192x64xf32, #tpu.memory_space<hbm>>
    tpu.enqueue_indirect_dma source(%dma_start3A_4 : memref<8192x64xf32, #tpu.memory_space<hbm>>) target(%arg6 : memref<32x64xf32, #tpu.memory_space<vmem>>) offsets(%arg5 : memref<32xi32, #tpu.memory_space<vmem>>) semaphore(%arg7 : memref<!tpu.dma_semaphore, #tpu.memory_space<semaphore_mem>>)
    %dma_wait3A = arith.constant 0 : i32
    %dma_wait3A_5 = arith.constant 0 : i32
    %dma_wait3A_6 = tpu.memref_slice %arg2[%dma_wait3A, %dma_wait3A_5] : memref<8192x64xf32, #tpu.memory_space<hbm>> -> memref<8192x64xf32, #tpu.memory_space<hbm>>
    tpu.wait_indirect_dma semaphore(%arg7 : memref<!tpu.dma_semaphore, #tpu.memory_space<semaphore_mem>>) src(%dma_wait3A_6 : memref<8192x64xf32, #tpu.memory_space<hbm>>) dst(%arg6 : memref<32x64xf32, #tpu.memory_space<vmem>>)
    "tpu.region"() ({
      %run_scoped3A = tpu.sem_alloc : memref<!tpu.dma_semaphore, #tpu.memory_space<semaphore_mem>>
      %dma_start3A_7 = arith.constant 0 : i32
      %dma_start3A_8 = tpu.memref_slice %arg4[%mul3A_2, %dma_start3A_7] : memref<1024x64xf32, #tpu.memory_space<hbm>> -> memref<32x64xf32, #tpu.memory_space<hbm>>
      %dma_start3A_9 = arith.constant 0 : i32
      %dma_start3A_10 = tpu.memref_slice %arg4[%mul3A_2, %dma_start3A_9] : memref<1024x64xf32, #tpu.memory_space<hbm>> -> memref<32x64xf32, #tpu.memory_space<hbm>>
      tpu.enqueue_dma source(%arg6 : memref<32x64xf32, #tpu.memory_space<vmem>>) target(%dma_start3A_10 : memref<32x64xf32, #tpu.memory_space<hbm>>) target_semaphore(%run_scoped3A : memref<!tpu.dma_semaphore, #tpu.memory_space<semaphore_mem>>)
      %dma_wait3A_11 = arith.constant 0 : i32
      %dma_wait3A_12 = tpu.memref_slice %arg4[%mul3A_2, %dma_wait3A_11] : memref<1024x64xf32, #tpu.memory_space<hbm>> -> memref<32x64xf32, #tpu.memory_space<hbm>>
      %dma_wait3A_13 = arith.constant 0 : i32
      %dma_wait3A_14 = tpu.memref_slice %arg4[%mul3A_2, %dma_wait3A_13] : memref<1024x64xf32, #tpu.memory_space<hbm>> -> memref<32x64xf32, #tpu.memory_space<hbm>>
      tpu.wait_dma2 semaphore(%run_scoped3A : memref<!tpu.dma_semaphore, #tpu.memory_space<semaphore_mem>>) src(%arg6 : memref<32x64xf32, #tpu.memory_space<vmem>>) dst(%dma_wait3A_14 : memref<32x64xf32, #tpu.memory_space<hbm>>)
      tpu.yield
    }) : () -> ()
    return
  }
}

module attributes {stable_mosaic.version = 14 : i64} {
  func.func @_vq_body(%arg0: i32, %arg1: memref<1024x64xf32, #tpu.memory_space<vmem>>, %arg2: memref<1024x64xf32, #tpu.memory_space<vmem>>, %arg3: memref<1x1024xf32, #tpu.memory_space<vmem>>, %arg4: memref<1024x1xi32, #tpu.memory_space<vmem>>, %arg5: memref<1024x1xf32, #tpu.memory_space<vmem>>) attributes {dimension_semantics = [#tpu.dimension_semantics<arbitrary>], iteration_bounds = array<i64: 8>, scalar_prefetch = 0 : i64, scratch_operands = 1 : i64, tpu.core_type = #tpu.core_type<tc>, window_params = [{pipeline_mode = #tpu.pipeline_mode<synchronous>, transform_indices = @transform_0, window_bounds = array<i64: 1024, 64>}, {transform_indices = @transform_1, window_bounds = array<i64: 1024, 64>}, {transform_indices = @transform_2, window_bounds = array<i64: 1, 1024>}, {pipeline_mode = #tpu.pipeline_mode<synchronous>, transform_indices = @transform_3, window_bounds = array<i64: 1024, 1>}]} {
    %get3A = arith.constant 0 : index
    %get3A_0 = arith.constant 0 : index
    %get3A_1 = vector.load %arg1[%get3A, %get3A_0] : memref<1024x64xf32, #tpu.memory_space<vmem>>, vector<1024x64xf32>
    %get3A_2 = arith.constant 0 : index
    %get3A_3 = arith.constant 0 : index
    %get3A_4 = vector.load %arg2[%get3A_2, %get3A_3] : memref<1024x64xf32, #tpu.memory_space<vmem>>, vector<1024x64xf32>
    %convert_element_type3A = arith.truncf %get3A_1 : vector<1024x64xf32> to vector<1024x64xbf16>
    %convert_element_type3A_5 = arith.truncf %get3A_4 : vector<1024x64xf32> to vector<1024x64xbf16>
    %dot_general3A = arith.constant dense<0.000000e+00> : vector<1024x1024xf32>
    %dot_general3A_6 = tpu.matmul %convert_element_type3A, %convert_element_type3A_5, %dot_general3A {dimension_numbers = #tpu.dot_dimension_numbers<[1], [1], [0], [0], [0, 0, 1, 0], [], []>, transpose_lhs_hint = false} : vector<1024x64xbf16>, vector<1024x64xbf16>, vector<1024x1024xf32> -> vector<1024x1024xf32>
    %mul3A = arith.mulf %get3A_1, %get3A_1 : vector<1024x64xf32>
    %reduce_sum3A = arith.constant dense<0.000000e+00> : vector<1024xf32>
    %reduce_sum3A_7 = vector.multi_reduction <add>, %mul3A, %reduce_sum3A [1] : vector<1024x64xf32> to vector<1024xf32>
    %broadcast_in_dim3A = vector.shape_cast %reduce_sum3A_7 : vector<1024xf32> to vector<1024x1xf32>
    %get3A_8 = arith.constant 0 : index
    %get3A_9 = arith.constant 0 : index
    %get3A_10 = vector.load %arg3[%get3A_8, %get3A_9] : memref<1x1024xf32, #tpu.memory_space<vmem>>, vector<1x1024xf32>
    %add3A = vector.broadcast %broadcast_in_dim3A : vector<1024x1xf32> to vector<1024x1024xf32>
    %add3A_11 = vector.broadcast %get3A_10 : vector<1x1024xf32> to vector<1024x1024xf32>
    %add3A_12 = arith.addf %add3A, %add3A_11 : vector<1024x1024xf32>
    %mul3A_13 = arith.constant 2.000000e+00 : f32
    %mul3A_14 = vector.broadcast %mul3A_13 : f32 to vector<1024x1024xf32>
    %mul3A_15 = arith.mulf %mul3A_14, %dot_general3A_6 : vector<1024x1024xf32>
    %sub3A = arith.subf %add3A_12, %mul3A_15 : vector<1024x1024xf32>
    %reduce_min3A = arith.constant dense<0x7F800000> : vector<1024xf32>
    %reduce_min3A_16 = vector.multi_reduction <minimumf>, %sub3A, %reduce_min3A [1] : vector<1024x1024xf32> to vector<1024xf32>
    %broadcast_in_dim3A_17 = vector.shape_cast %reduce_min3A_16 : vector<1024xf32> to vector<1024x1xf32>
    %iota3A = tpu.iota {dimensions = array<i32: 1>} : vector<1024x1024xi32>
    %eq3A = vector.broadcast %broadcast_in_dim3A_17 : vector<1024x1xf32> to vector<1024x1024xf32>
    %eq3A_18 = arith.cmpf oeq, %sub3A, %eq3A : vector<1024x1024xf32>
    %jit3A = arith.constant 8192 : i32
    %broadcast_in_dim3A_19 = vector.broadcast %jit3A : i32 to vector<1024x1024xi32>
    %select_n3A = arith.select %eq3A_18, %iota3A, %broadcast_in_dim3A_19 : vector<1024x1024xi1>, vector<1024x1024xi32>
    %reduce_min3A_20 = arith.constant dense<2147483647> : vector<1024xi32>
    %reduce_min3A_21 = vector.multi_reduction <minsi>, %select_n3A, %reduce_min3A_20 [1] : vector<1024x1024xi32> to vector<1024xi32>
    %broadcast_in_dim3A_22 = vector.shape_cast %reduce_min3A_21 : vector<1024xi32> to vector<1024x1xi32>
    %mul3A_23 = arith.constant 1024 : i32
    %mul3A_24 = arith.muli %arg0, %mul3A_23 : i32
    %add3A_25 = vector.broadcast %mul3A_24 : i32 to vector<1024x1xi32>
    %add3A_26 = arith.addi %broadcast_in_dim3A_22, %add3A_25 : vector<1024x1xi32>
    %eq3A_27 = arith.constant 0 : i32
    %eq3A_28 = arith.cmpi eq, %arg0, %eq3A_27 : i32
    %convert_element_type3A_29 = arith.extui %eq3A_28 : i1 to i32
    %cond3A = arith.constant 0 : i32
    %cond3A_30 = arith.cmpi ne, %convert_element_type3A_29, %cond3A : i32
    scf.if %cond3A_30 {
      %swap3A = arith.constant 0 : index
      %swap3A_35 = arith.constant 0 : index
      %swap3A_36 = vector.load %arg5[%swap3A, %swap3A_35] : memref<1024x1xf32, #tpu.memory_space<vmem>>, vector<1024x1xf32>
      tpu.vector_store %arg5[%swap3A, %swap3A_35], %broadcast_in_dim3A_17 {strides = array<i32>} : memref<1024x1xf32, #tpu.memory_space<vmem>>, vector<1024x1xf32>,
      %swap3A_37 = arith.constant 0 : index
      %swap3A_38 = arith.constant 0 : index
      %swap3A_39 = vector.load %arg4[%swap3A_37, %swap3A_38] : memref<1024x1xi32, #tpu.memory_space<vmem>>, vector<1024x1xi32>
      tpu.vector_store %arg4[%swap3A_37, %swap3A_38], %add3A_26 {strides = array<i32>} : memref<1024x1xi32, #tpu.memory_space<vmem>>, vector<1024x1xi32>,
    } else {
    }
    %gt3A = arith.constant 0 : i32
    %gt3A_31 = arith.cmpi sgt, %arg0, %gt3A : i32
    %convert_element_type3A_32 = arith.extui %gt3A_31 : i1 to i32
    %cond3A_33 = arith.constant 0 : i32
    %cond3A_34 = arith.cmpi ne, %convert_element_type3A_32, %cond3A_33 : i32
    scf.if %cond3A_34 {
      %get3A_35 = arith.constant 0 : index
      %get3A_36 = arith.constant 0 : index
      %get3A_37 = vector.load %arg5[%get3A_35, %get3A_36] : memref<1024x1xf32, #tpu.memory_space<vmem>>, vector<1024x1xf32>
      %lt3A = arith.cmpf olt, %broadcast_in_dim3A_17, %get3A_37 : vector<1024x1xf32>
      %get3A_38 = arith.constant 0 : index
      %get3A_39 = arith.constant 0 : index
      %get3A_40 = vector.load %arg5[%get3A_38, %get3A_39] : memref<1024x1xf32, #tpu.memory_space<vmem>>, vector<1024x1xf32>
      %select_n3A_41 = arith.select %lt3A, %broadcast_in_dim3A_17, %get3A_40 : vector<1024x1xi1>, vector<1024x1xf32>
      %swap3A = arith.constant 0 : index
      %swap3A_42 = arith.constant 0 : index
      %swap3A_43 = vector.load %arg5[%swap3A, %swap3A_42] : memref<1024x1xf32, #tpu.memory_space<vmem>>, vector<1024x1xf32>
      tpu.vector_store %arg5[%swap3A, %swap3A_42], %select_n3A_41 {strides = array<i32>} : memref<1024x1xf32, #tpu.memory_space<vmem>>, vector<1024x1xf32>,
      %get3A_44 = arith.constant 0 : index
      %get3A_45 = arith.constant 0 : index
      %get3A_46 = vector.load %arg4[%get3A_44, %get3A_45] : memref<1024x1xi32, #tpu.memory_space<vmem>>, vector<1024x1xi32>
      %select_n3A_47 = arith.select %lt3A, %add3A_26, %get3A_46 : vector<1024x1xi1>, vector<1024x1xi32>
      %swap3A_48 = arith.constant 0 : index
      %swap3A_49 = arith.constant 0 : index
      %swap3A_50 = vector.load %arg4[%swap3A_48, %swap3A_49] : memref<1024x1xi32, #tpu.memory_space<vmem>>, vector<1024x1xi32>
      tpu.vector_store %arg4[%swap3A_48, %swap3A_49], %select_n3A_47 {strides = array<i32>} : memref<1024x1xi32, #tpu.memory_space<vmem>>, vector<1024x1xi32>,
    } else {
    }
    return
  }
  func.func @transform_0(%arg0: i32) -> (i32, i32) {
    %c0_i32 = arith.constant 0 : i32
    %c0_i32_0 = arith.constant 0 : i32
    %c0_i32_1 = arith.constant 0 : i32
    return %c0_i32, %c0_i32_0 : i32, i32
  }
  func.func @transform_1(%arg0: i32) -> (i32, i32) {
    %c0_i32 = arith.constant 0 : i32
    %c0_i32_0 = arith.constant 0 : i32
    return %arg0, %c0_i32 : i32, i32
  }
  func.func @transform_2(%arg0: i32) -> (i32, i32) {
    %c0_i32 = arith.constant 0 : i32
    %c0_i32_0 = arith.constant 0 : i32
    return %c0_i32, %arg0 : i32, i32
  }
  func.func @transform_3(%arg0: i32) -> (i32, i32) {
    %c0_i32 = arith.constant 0 : i32
    %c0_i32_0 = arith.constant 0 : i32
    %c0_i32_1 = arith.constant 0 : i32
    return %c0_i32, %c0_i32_0 : i32, i32
  }
}

module attributes {stable_mosaic.version = 14 : i64} {
  func.func @_enc_body(%arg0: i32, %arg1: memref<32x128x256xf32, #tpu.memory_space<vmem>>, %arg2: memref<64x128xbf16, #tpu.memory_space<vmem>>, %arg3: memref<128x64xbf16, #tpu.memory_space<vmem>>, %arg4: memref<64x128xbf16, #tpu.memory_space<vmem>>, %arg5: memref<32x64xf32, #tpu.memory_space<vmem>>) attributes {dimension_semantics = [#tpu.dimension_semantics<arbitrary>], iteration_bounds = array<i64: 32>, scalar_prefetch = 0 : i64, scratch_operands = 0 : i64, tpu.core_type = #tpu.core_type<tc>, window_params = [{transform_indices = @transform_0, window_bounds = array<i64: 32, 128, 256>}, {pipeline_mode = #tpu.pipeline_mode<synchronous>, transform_indices = @transform_1, window_bounds = array<i64: 64, 128>}, {pipeline_mode = #tpu.pipeline_mode<synchronous>, transform_indices = @transform_2, window_bounds = array<i64: 128, 64>}, {pipeline_mode = #tpu.pipeline_mode<synchronous>, transform_indices = @transform_3, window_bounds = array<i64: 64, 128>}, {transform_indices = @transform_4, window_bounds = array<i64: 32, 64>}]} {
    %get3A = arith.constant 0 : index
    %get3A_0 = arith.constant 0 : index
    %get3A_1 = vector.load %arg2[%get3A, %get3A_0] : memref<64x128xbf16, #tpu.memory_space<vmem>>, vector<64x128xbf16>
    %get3A_2 = arith.constant 0 : index
    %get3A_3 = arith.constant 0 : index
    %get3A_4 = vector.load %arg3[%get3A_2, %get3A_3] : memref<128x64xbf16, #tpu.memory_space<vmem>>, vector<128x64xbf16>
    %get3A_5 = arith.constant 0 : index
    %get3A_6 = arith.constant 0 : index
    %get3A_7 = vector.load %arg4[%get3A_5, %get3A_6] : memref<64x128xbf16, #tpu.memory_space<vmem>>, vector<64x128xbf16>
    %get3A_8 = arith.constant 0 : index
    %get3A_9 = arith.constant 0 : index
    %get3A_10 = arith.constant 0 : index
    %get3A_11 = vector.load %arg1[%get3A_8, %get3A_9, %get3A_10] : memref<32x128x256xf32, #tpu.memory_space<vmem>>, vector<1x128x256xf32>
    %get3A_12 = vector.shape_cast %get3A_11 : vector<1x128x256xf32> to vector<128x256xf32>
    %convert_element_type3A = arith.truncf %get3A_12 : vector<128x256xf32> to vector<128x256xbf16>
    %get3A_13 = arith.constant 1 : index
    %get3A_14 = arith.constant 0 : index
    %get3A_15 = arith.constant 0 : index
    %get3A_16 = vector.load %arg1[%get3A_13, %get3A_14, %get3A_15] : memref<32x128x256xf32, #tpu.memory_space<vmem>>, vector<1x128x256xf32>
    %get3A_17 = vector.shape_cast %get3A_16 : vector<1x128x256xf32> to vector<128x256xf32>
    %convert_element_type3A_18 = arith.truncf %get3A_17 : vector<128x256xf32> to vector<128x256xbf16>
    %get3A_19 = arith.constant 2 : index
    %get3A_20 = arith.constant 0 : index
    %get3A_21 = arith.constant 0 : index
    %get3A_22 = vector.load %arg1[%get3A_19, %get3A_20, %get3A_21] : memref<32x128x256xf32, #tpu.memory_space<vmem>>, vector<1x128x256xf32>
    %get3A_23 = vector.shape_cast %get3A_22 : vector<1x128x256xf32> to vector<128x256xf32>
    %convert_element_type3A_24 = arith.truncf %get3A_23 : vector<128x256xf32> to vector<128x256xbf16>
    %get3A_25 = arith.constant 3 : index
    %get3A_26 = arith.constant 0 : index
    %get3A_27 = arith.constant 0 : index
    %get3A_28 = vector.load %arg1[%get3A_25, %get3A_26, %get3A_27] : memref<32x128x256xf32, #tpu.memory_space<vmem>>, vector<1x128x256xf32>
    %get3A_29 = vector.shape_cast %get3A_28 : vector<1x128x256xf32> to vector<128x256xf32>
    %convert_element_type3A_30 = arith.truncf %get3A_29 : vector<128x256xf32> to vector<128x256xbf16>
    %get3A_31 = arith.constant 4 : index
    %get3A_32 = arith.constant 0 : index
    %get3A_33 = arith.constant 0 : index
    %get3A_34 = vector.load %arg1[%get3A_31, %get3A_32, %get3A_33] : memref<32x128x256xf32, #tpu.memory_space<vmem>>, vector<1x128x256xf32>
    %get3A_35 = vector.shape_cast %get3A_34 : vector<1x128x256xf32> to vector<128x256xf32>
    %convert_element_type3A_36 = arith.truncf %get3A_35 : vector<128x256xf32> to vector<128x256xbf16>
    %get3A_37 = arith.constant 5 : index
    %get3A_38 = arith.constant 0 : index
    %get3A_39 = arith.constant 0 : index
    %get3A_40 = vector.load %arg1[%get3A_37, %get3A_38, %get3A_39] : memref<32x128x256xf32, #tpu.memory_space<vmem>>, vector<1x128x256xf32>
    %get3A_41 = vector.shape_cast %get3A_40 : vector<1x128x256xf32> to vector<128x256xf32>
    %convert_element_type3A_42 = arith.truncf %get3A_41 : vector<128x256xf32> to vector<128x256xbf16>
    %get3A_43 = arith.constant 6 : index
    %get3A_44 = arith.constant 0 : index
    %get3A_45 = arith.constant 0 : index
    %get3A_46 = vector.load %arg1[%get3A_43, %get3A_44, %get3A_45] : memref<32x128x256xf32, #tpu.memory_space<vmem>>, vector<1x128x256xf32>
    %get3A_47 = vector.shape_cast %get3A_46 : vector<1x128x256xf32> to vector<128x256xf32>
    %convert_element_type3A_48 = arith.truncf %get3A_47 : vector<128x256xf32> to vector<128x256xbf16>
    %get3A_49 = arith.constant 7 : index
    %get3A_50 = arith.constant 0 : index
    %get3A_51 = arith.constant 0 : index
    %get3A_52 = vector.load %arg1[%get3A_49, %get3A_50, %get3A_51] : memref<32x128x256xf32, #tpu.memory_space<vmem>>, vector<1x128x256xf32>
    %get3A_53 = vector.shape_cast %get3A_52 : vector<1x128x256xf32> to vector<128x256xf32>
    %convert_element_type3A_54 = arith.truncf %get3A_53 : vector<128x256xf32> to vector<128x256xbf16>
    %get3A_55 = arith.constant 8 : index
    %get3A_56 = arith.constant 0 : index
    %get3A_57 = arith.constant 0 : index
    %get3A_58 = vector.load %arg1[%get3A_55, %get3A_56, %get3A_57] : memref<32x128x256xf32, #tpu.memory_space<vmem>>, vector<1x128x256xf32>
    %get3A_59 = vector.shape_cast %get3A_58 : vector<1x128x256xf32> to vector<128x256xf32>
    %convert_element_type3A_60 = arith.truncf %get3A_59 : vector<128x256xf32> to vector<128x256xbf16>
    %get3A_61 = arith.constant 9 : index
    %get3A_62 = arith.constant 0 : index
    %get3A_63 = arith.constant 0 : index
    %get3A_64 = vector.load %arg1[%get3A_61, %get3A_62, %get3A_63] : memref<32x128x256xf32, #tpu.memory_space<vmem>>, vector<1x128x256xf32>
    %get3A_65 = vector.shape_cast %get3A_64 : vector<1x128x256xf32> to vector<128x256xf32>
    %convert_element_type3A_66 = arith.truncf %get3A_65 : vector<128x256xf32> to vector<128x256xbf16>
    %get3A_67 = arith.constant 10 : index
    %get3A_68 = arith.constant 0 : index
    %get3A_69 = arith.constant 0 : index
    %get3A_70 = vector.load %arg1[%get3A_67, %get3A_68, %get3A_69] : memref<32x128x256xf32, #tpu.memory_space<vmem>>, vector<1x128x256xf32>
    %get3A_71 = vector.shape_cast %get3A_70 : vector<1x128x256xf32> to vector<128x256xf32>
    %convert_element_type3A_72 = arith.truncf %get3A_71 : vector<128x256xf32> to vector<128x256xbf16>
    %get3A_73 = arith.constant 11 : index
    %get3A_74 = arith.constant 0 : index
    %get3A_75 = arith.constant 0 : index
    %get3A_76 = vector.load %arg1[%get3A_73, %get3A_74, %get3A_75] : memref<32x128x256xf32, #tpu.memory_space<vmem>>, vector<1x128x256xf32>
    %get3A_77 = vector.shape_cast %get3A_76 : vector<1x128x256xf32> to vector<128x256xf32>
    %convert_element_type3A_78 = arith.truncf %get3A_77 : vector<128x256xf32> to vector<128x256xbf16>
    %get3A_79 = arith.constant 12 : index
    %get3A_80 = arith.constant 0 : index
    %get3A_81 = arith.constant 0 : index
    %get3A_82 = vector.load %arg1[%get3A_79, %get3A_80, %get3A_81] : memref<32x128x256xf32, #tpu.memory_space<vmem>>, vector<1x128x256xf32>
    %get3A_83 = vector.shape_cast %get3A_82 : vector<1x128x256xf32> to vector<128x256xf32>
    %convert_element_type3A_84 = arith.truncf %get3A_83 : vector<128x256xf32> to vector<128x256xbf16>
    %get3A_85 = arith.constant 13 : index
    %get3A_86 = arith.constant 0 : index
    %get3A_87 = arith.constant 0 : index
    %get3A_88 = vector.load %arg1[%get3A_85, %get3A_86, %get3A_87] : memref<32x128x256xf32, #tpu.memory_space<vmem>>, vector<1x128x256xf32>
    %get3A_89 = vector.shape_cast %get3A_88 : vector<1x128x256xf32> to vector<128x256xf32>
    %convert_element_type3A_90 = arith.truncf %get3A_89 : vector<128x256xf32> to vector<128x256xbf16>
    %get3A_91 = arith.constant 14 : index
    %get3A_92 = arith.constant 0 : index
    %get3A_93 = arith.constant 0 : index
    %get3A_94 = vector.load %arg1[%get3A_91, %get3A_92, %get3A_93] : memref<32x128x256xf32, #tpu.memory_space<vmem>>, vector<1x128x256xf32>
    %get3A_95 = vector.shape_cast %get3A_94 : vector<1x128x256xf32> to vector<128x256xf32>
    %convert_element_type3A_96 = arith.truncf %get3A_95 : vector<128x256xf32> to vector<128x256xbf16>
    %get3A_97 = arith.constant 15 : index
    %get3A_98 = arith.constant 0 : index
    %get3A_99 = arith.constant 0 : index
    %get3A_100 = vector.load %arg1[%get3A_97, %get3A_98, %get3A_99] : memref<32x128x256xf32, #tpu.memory_space<vmem>>, vector<1x128x256xf32>
    %get3A_101 = vector.shape_cast %get3A_100 : vector<1x128x256xf32> to vector<128x256xf32>
    %convert_element_type3A_102 = arith.truncf %get3A_101 : vector<128x256xf32> to vector<128x256xbf16>
    %get3A_103 = arith.constant 16 : index
    %get3A_104 = arith.constant 0 : index
    %get3A_105 = arith.constant 0 : index
    %get3A_106 = vector.load %arg1[%get3A_103, %get3A_104, %get3A_105] : memref<32x128x256xf32, #tpu.memory_space<vmem>>, vector<1x128x256xf32>
    %get3A_107 = vector.shape_cast %get3A_106 : vector<1x128x256xf32> to vector<128x256xf32>
    %convert_element_type3A_108 = arith.truncf %get3A_107 : vector<128x256xf32> to vector<128x256xbf16>
    %get3A_109 = arith.constant 17 : index
    %get3A_110 = arith.constant 0 : index
    %get3A_111 = arith.constant 0 : index
    %get3A_112 = vector.load %arg1[%get3A_109, %get3A_110, %get3A_111] : memref<32x128x256xf32, #tpu.memory_space<vmem>>, vector<1x128x256xf32>
    %get3A_113 = vector.shape_cast %get3A_112 : vector<1x128x256xf32> to vector<128x256xf32>
    %convert_element_type3A_114 = arith.truncf %get3A_113 : vector<128x256xf32> to vector<128x256xbf16>
    %get3A_115 = arith.constant 18 : index
    %get3A_116 = arith.constant 0 : index
    %get3A_117 = arith.constant 0 : index
    %get3A_118 = vector.load %arg1[%get3A_115, %get3A_116, %get3A_117] : memref<32x128x256xf32, #tpu.memory_space<vmem>>, vector<1x128x256xf32>
    %get3A_119 = vector.shape_cast %get3A_118 : vector<1x128x256xf32> to vector<128x256xf32>
    %convert_element_type3A_120 = arith.truncf %get3A_119 : vector<128x256xf32> to vector<128x256xbf16>
    %get3A_121 = arith.constant 19 : index
    %get3A_122 = arith.constant 0 : index
    %get3A_123 = arith.constant 0 : index
    %get3A_124 = vector.load %arg1[%get3A_121, %get3A_122, %get3A_123] : memref<32x128x256xf32, #tpu.memory_space<vmem>>, vector<1x128x256xf32>
    %get3A_125 = vector.shape_cast %get3A_124 : vector<1x128x256xf32> to vector<128x256xf32>
    %convert_element_type3A_126 = arith.truncf %get3A_125 : vector<128x256xf32> to vector<128x256xbf16>
    %get3A_127 = arith.constant 20 : index
    %get3A_128 = arith.constant 0 : index
    %get3A_129 = arith.constant 0 : index
    %get3A_130 = vector.load %arg1[%get3A_127, %get3A_128, %get3A_129] : memref<32x128x256xf32, #tpu.memory_space<vmem>>, vector<1x128x256xf32>
    %get3A_131 = vector.shape_cast %get3A_130 : vector<1x128x256xf32> to vector<128x256xf32>
    %convert_element_type3A_132 = arith.truncf %get3A_131 : vector<128x256xf32> to vector<128x256xbf16>
    %get3A_133 = arith.constant 21 : index
    %get3A_134 = arith.constant 0 : index
    %get3A_135 = arith.constant 0 : index
    %get3A_136 = vector.load %arg1[%get3A_133, %get3A_134, %get3A_135] : memref<32x128x256xf32, #tpu.memory_space<vmem>>, vector<1x128x256xf32>
    %get3A_137 = vector.shape_cast %get3A_136 : vector<1x128x256xf32> to vector<128x256xf32>
    %convert_element_type3A_138 = arith.truncf %get3A_137 : vector<128x256xf32> to vector<128x256xbf16>
    %get3A_139 = arith.constant 22 : index
    %get3A_140 = arith.constant 0 : index
    %get3A_141 = arith.constant 0 : index
    %get3A_142 = vector.load %arg1[%get3A_139, %get3A_140, %get3A_141] : memref<32x128x256xf32, #tpu.memory_space<vmem>>, vector<1x128x256xf32>
    %get3A_143 = vector.shape_cast %get3A_142 : vector<1x128x256xf32> to vector<128x256xf32>
    %convert_element_type3A_144 = arith.truncf %get3A_143 : vector<128x256xf32> to vector<128x256xbf16>
    %get3A_145 = arith.constant 23 : index
    %get3A_146 = arith.constant 0 : index
    %get3A_147 = arith.constant 0 : index
    %get3A_148 = vector.load %arg1[%get3A_145, %get3A_146, %get3A_147] : memref<32x128x256xf32, #tpu.memory_space<vmem>>, vector<1x128x256xf32>
    %get3A_149 = vector.shape_cast %get3A_148 : vector<1x128x256xf32> to vector<128x256xf32>
    %convert_element_type3A_150 = arith.truncf %get3A_149 : vector<128x256xf32> to vector<128x256xbf16>
    %get3A_151 = arith.constant 24 : index
    %get3A_152 = arith.constant 0 : index
    %get3A_153 = arith.constant 0 : index
    %get3A_154 = vector.load %arg1[%get3A_151, %get3A_152, %get3A_153] : memref<32x128x256xf32, #tpu.memory_space<vmem>>, vector<1x128x256xf32>
    %get3A_155 = vector.shape_cast %get3A_154 : vector<1x128x256xf32> to vector<128x256xf32>
    %convert_element_type3A_156 = arith.truncf %get3A_155 : vector<128x256xf32> to vector<128x256xbf16>
    %get3A_157 = arith.constant 25 : index
    %get3A_158 = arith.constant 0 : index
    %get3A_159 = arith.constant 0 : index
    %get3A_160 = vector.load %arg1[%get3A_157, %get3A_158, %get3A_159] : memref<32x128x256xf32, #tpu.memory_space<vmem>>, vector<1x128x256xf32>
    %get3A_161 = vector.shape_cast %get3A_160 : vector<1x128x256xf32> to vector<128x256xf32>
    %convert_element_type3A_162 = arith.truncf %get3A_161 : vector<128x256xf32> to vector<128x256xbf16>
    %get3A_163 = arith.constant 26 : index
    %get3A_164 = arith.constant 0 : index
    %get3A_165 = arith.constant 0 : index
    %get3A_166 = vector.load %arg1[%get3A_163, %get3A_164, %get3A_165] : memref<32x128x256xf32, #tpu.memory_space<vmem>>, vector<1x128x256xf32>
    %get3A_167 = vector.shape_cast %get3A_166 : vector<1x128x256xf32> to vector<128x256xf32>
    %convert_element_type3A_168 = arith.truncf %get3A_167 : vector<128x256xf32> to vector<128x256xbf16>
    %get3A_169 = arith.constant 27 : index
    %get3A_170 = arith.constant 0 : index
    %get3A_171 = arith.constant 0 : index
    %get3A_172 = vector.load %arg1[%get3A_169, %get3A_170, %get3A_171] : memref<32x128x256xf32, #tpu.memory_space<vmem>>, vector<1x128x256xf32>
    %get3A_173 = vector.shape_cast %get3A_172 : vector<1x128x256xf32> to vector<128x256xf32>
    %convert_element_type3A_174 = arith.truncf %get3A_173 : vector<128x256xf32> to vector<128x256xbf16>
    %get3A_175 = arith.constant 28 : index
    %get3A_176 = arith.constant 0 : index
    %get3A_177 = arith.constant 0 : index
    %get3A_178 = vector.load %arg1[%get3A_175, %get3A_176, %get3A_177] : memref<32x128x256xf32, #tpu.memory_space<vmem>>, vector<1x128x256xf32>
    %get3A_179 = vector.shape_cast %get3A_178 : vector<1x128x256xf32> to vector<128x256xf32>
    %convert_element_type3A_180 = arith.truncf %get3A_179 : vector<128x256xf32> to vector<128x256xbf16>
    %get3A_181 = arith.constant 29 : index
    %get3A_182 = arith.constant 0 : index
    %get3A_183 = arith.constant 0 : index
    %get3A_184 = vector.load %arg1[%get3A_181, %get3A_182, %get3A_183] : memref<32x128x256xf32, #tpu.memory_space<vmem>>, vector<1x128x256xf32>
    %get3A_185 = vector.shape_cast %get3A_184 : vector<1x128x256xf32> to vector<128x256xf32>
    %convert_element_type3A_186 = arith.truncf %get3A_185 : vector<128x256xf32> to vector<128x256xbf16>
    %get3A_187 = arith.constant 30 : index
    %get3A_188 = arith.constant 0 : index
    %get3A_189 = arith.constant 0 : index
    %get3A_190 = vector.load %arg1[%get3A_187, %get3A_188, %get3A_189] : memref<32x128x256xf32, #tpu.memory_space<vmem>>, vector<1x128x256xf32>
    %get3A_191 = vector.shape_cast %get3A_190 : vector<1x128x256xf32> to vector<128x256xf32>
    %convert_element_type3A_192 = arith.truncf %get3A_191 : vector<128x256xf32> to vector<128x256xbf16>
    %get3A_193 = arith.constant 31 : index
    %get3A_194 = arith.constant 0 : index
    %get3A_195 = arith.constant 0 : index
    %get3A_196 = vector.load %arg1[%get3A_193, %get3A_194, %get3A_195] : memref<32x128x256xf32, #tpu.memory_space<vmem>>, vector<1x128x256xf32>
    %get3A_197 = vector.shape_cast %get3A_196 : vector<1x128x256xf32> to vector<128x256xf32>
    %convert_element_type3A_198 = arith.truncf %get3A_197 : vector<128x256xf32> to vector<128x256xbf16>
    %concatenate3A = tpu.concatenate %convert_element_type3A, %convert_element_type3A_18, %convert_element_type3A_24, %convert_element_type3A_30, %convert_element_type3A_36, %convert_element_type3A_42, %convert_element_type3A_48, %convert_element_type3A_54, %convert_element_type3A_60, %convert_element_type3A_66, %convert_element_type3A_72, %convert_element_type3A_78, %convert_element_type3A_84, %convert_element_type3A_90, %convert_element_type3A_96, %convert_element_type3A_102, %convert_element_type3A_108, %convert_element_type3A_114, %convert_element_type3A_120, %convert_element_type3A_126, %convert_element_type3A_132, %convert_element_type3A_138, %convert_element_type3A_144, %convert_element_type3A_150, %convert_element_type3A_156, %convert_element_type3A_162, %convert_element_type3A_168, %convert_element_type3A_174, %convert_element_type3A_180, %convert_element_type3A_186, %convert_element_type3A_192, %convert_element_type3A_198 in 1 : vector<128x256xbf16>, vector<128x256xbf16>, vector<128x256xbf16>, vector<128x256xbf16>, vector<128x256xbf16>, vector<128x256xbf16>, vector<128x256xbf16>, vector<128x256xbf16>, vector<128x256xbf16>, vector<128x256xbf16>, vector<128x256xbf16>, vector<128x256xbf16>, vector<128x256xbf16>, vector<128x256xbf16>, vector<128x256xbf16>, vector<128x256xbf16>, vector<128x256xbf16>, vector<128x256xbf16>, vector<128x256xbf16>, vector<128x256xbf16>, vector<128x256xbf16>, vector<128x256xbf16>, vector<128x256xbf16>, vector<128x256xbf16>, vector<128x256xbf16>, vector<128x256xbf16>, vector<128x256xbf16>, vector<128x256xbf16>, vector<128x256xbf16>, vector<128x256xbf16>, vector<128x256xbf16>, vector<128x256xbf16> -> vector<128x8192xbf16>
    %dot_general3A = arith.constant dense<0.000000e+00> : vector<64x8192xf32>
    %dot_general3A_199 = tpu.matmul %get3A_1, %concatenate3A, %dot_general3A {dimension_numbers = #tpu.dot_dimension_numbers<[1], [0], [0], [1], [0, 0, 1, 1], [], []>, transpose_lhs_hint = false} : vector<64x128xbf16>, vector<128x8192xbf16>, vector<64x8192xf32> -> vector<64x8192xf32>
    %ge3A = arith.constant 0.000000e+00 : f32
    %ge3A_200 = vector.broadcast %ge3A : f32 to vector<64x8192xf32>
    %ge3A_201 = arith.cmpf oge, %dot_general3A_199, %ge3A_200 : vector<64x8192xf32>
    %mul3A = arith.constant 1.000000e-03 : f32
    %mul3A_202 = vector.broadcast %mul3A : f32 to vector<64x8192xf32>
    %mul3A_203 = arith.mulf %mul3A_202, %dot_general3A_199 : vector<64x8192xf32>
    %select_n3A = arith.select %ge3A_201, %dot_general3A_199, %mul3A_203 : vector<64x8192xi1>, vector<64x8192xf32>
    %convert_element_type3A_204 = arith.truncf %select_n3A : vector<64x8192xf32> to vector<64x8192xbf16>
    %dot_general3A_205 = arith.constant dense<0.000000e+00> : vector<128x8192xf32>
    %dot_general3A_206 = tpu.matmul %get3A_4, %convert_element_type3A_204, %dot_general3A_205 {dimension_numbers = #tpu.dot_dimension_numbers<[1], [0], [0], [1], [0, 0, 1, 1], [], []>, transpose_lhs_hint = false} : vector<128x64xbf16>, vector<64x8192xbf16>, vector<128x8192xf32> -> vector<128x8192xf32>
    %ge3A_207 = arith.constant 0.000000e+00 : f32
    %ge3A_208 = vector.broadcast %ge3A_207 : f32 to vector<128x8192xf32>
    %ge3A_209 = arith.cmpf oge, %dot_general3A_206, %ge3A_208 : vector<128x8192xf32>
    %mul3A_210 = arith.constant 1.000000e-03 : f32
    %mul3A_211 = vector.broadcast %mul3A_210 : f32 to vector<128x8192xf32>
    %mul3A_212 = arith.mulf %mul3A_211, %dot_general3A_206 : vector<128x8192xf32>
    %select_n3A_213 = arith.select %ge3A_209, %dot_general3A_206, %mul3A_212 : vector<128x8192xi1>, vector<128x8192xf32>
    %convert_element_type3A_214 = arith.truncf %select_n3A_213 : vector<128x8192xf32> to vector<128x8192xbf16>
    %dot_general3A_215 = arith.constant dense<0.000000e+00> : vector<64x8192xf32>
    %dot_general3A_216 = tpu.matmul %get3A_7, %convert_element_type3A_214, %dot_general3A_215 {dimension_numbers = #tpu.dot_dimension_numbers<[1], [0], [0], [1], [0, 0, 1, 1], [], []>, transpose_lhs_hint = false} : vector<64x128xbf16>, vector<128x8192xbf16>, vector<64x8192xf32> -> vector<64x8192xf32>
    %slice3A = vector.extract_strided_slice %dot_general3A_216 {offsets = [0, 0], sizes = [64, 256], strides = [1, 1]} : vector<64x8192xf32> to vector<64x256xf32>
    %reduce_max3A = arith.constant dense<0xFF800000> : vector<64xf32>
    %reduce_max3A_217 = vector.multi_reduction <maximumf>, %slice3A, %reduce_max3A [1] : vector<64x256xf32> to vector<64xf32>
    %broadcast_in_dim3A = vector.shape_cast %reduce_max3A_217 : vector<64xf32> to vector<64x1xf32>
    %slice3A_218 = vector.extract_strided_slice %dot_general3A_216 {offsets = [0, 256], sizes = [64, 256], strides = [1, 1]} : vector<64x8192xf32> to vector<64x256xf32>
    %reduce_max3A_219 = arith.constant dense<0xFF800000> : vector<64xf32>
    %reduce_max3A_220 = vector.multi_reduction <maximumf>, %slice3A_218, %reduce_max3A_219 [1] : vector<64x256xf32> to vector<64xf32>
    %broadcast_in_dim3A_221 = vector.shape_cast %reduce_max3A_220 : vector<64xf32> to vector<64x1xf32>
    %slice3A_222 = vector.extract_strided_slice %dot_general3A_216 {offsets = [0, 512], sizes = [64, 256], strides = [1, 1]} : vector<64x8192xf32> to vector<64x256xf32>
    %reduce_max3A_223 = arith.constant dense<0xFF800000> : vector<64xf32>
    %reduce_max3A_224 = vector.multi_reduction <maximumf>, %slice3A_222, %reduce_max3A_223 [1] : vector<64x256xf32> to vector<64xf32>
    %broadcast_in_dim3A_225 = vector.shape_cast %reduce_max3A_224 : vector<64xf32> to vector<64x1xf32>
    %slice3A_226 = vector.extract_strided_slice %dot_general3A_216 {offsets = [0, 768], sizes = [64, 256], strides = [1, 1]} : vector<64x8192xf32> to vector<64x256xf32>
    %reduce_max3A_227 = arith.constant dense<0xFF800000> : vector<64xf32>
    %reduce_max3A_228 = vector.multi_reduction <maximumf>, %slice3A_226, %reduce_max3A_227 [1] : vector<64x256xf32> to vector<64xf32>
    %broadcast_in_dim3A_229 = vector.shape_cast %reduce_max3A_228 : vector<64xf32> to vector<64x1xf32>
    %slice3A_230 = vector.extract_strided_slice %dot_general3A_216 {offsets = [0, 1024], sizes = [64, 256], strides = [1, 1]} : vector<64x8192xf32> to vector<64x256xf32>
    %reduce_max3A_231 = arith.constant dense<0xFF800000> : vector<64xf32>
    %reduce_max3A_232 = vector.multi_reduction <maximumf>, %slice3A_230, %reduce_max3A_231 [1] : vector<64x256xf32> to vector<64xf32>
    %broadcast_in_dim3A_233 = vector.shape_cast %reduce_max3A_232 : vector<64xf32> to vector<64x1xf32>
    %slice3A_234 = vector.extract_strided_slice %dot_general3A_216 {offsets = [0, 1280], sizes = [64, 256], strides = [1, 1]} : vector<64x8192xf32> to vector<64x256xf32>
    %reduce_max3A_235 = arith.constant dense<0xFF800000> : vector<64xf32>
    %reduce_max3A_236 = vector.multi_reduction <maximumf>, %slice3A_234, %reduce_max3A_235 [1] : vector<64x256xf32> to vector<64xf32>
    %broadcast_in_dim3A_237 = vector.shape_cast %reduce_max3A_236 : vector<64xf32> to vector<64x1xf32>
    %slice3A_238 = vector.extract_strided_slice %dot_general3A_216 {offsets = [0, 1536], sizes = [64, 256], strides = [1, 1]} : vector<64x8192xf32> to vector<64x256xf32>
    %reduce_max3A_239 = arith.constant dense<0xFF800000> : vector<64xf32>
    %reduce_max3A_240 = vector.multi_reduction <maximumf>, %slice3A_238, %reduce_max3A_239 [1] : vector<64x256xf32> to vector<64xf32>
    %broadcast_in_dim3A_241 = vector.shape_cast %reduce_max3A_240 : vector<64xf32> to vector<64x1xf32>
    %slice3A_242 = vector.extract_strided_slice %dot_general3A_216 {offsets = [0, 1792], sizes = [64, 256], strides = [1, 1]} : vector<64x8192xf32> to vector<64x256xf32>
    %reduce_max3A_243 = arith.constant dense<0xFF800000> : vector<64xf32>
    %reduce_max3A_244 = vector.multi_reduction <maximumf>, %slice3A_242, %reduce_max3A_243 [1] : vector<64x256xf32> to vector<64xf32>
    %broadcast_in_dim3A_245 = vector.shape_cast %reduce_max3A_244 : vector<64xf32> to vector<64x1xf32>
    %slice3A_246 = vector.extract_strided_slice %dot_general3A_216 {offsets = [0, 2048], sizes = [64, 256], strides = [1, 1]} : vector<64x8192xf32> to vector<64x256xf32>
    %reduce_max3A_247 = arith.constant dense<0xFF800000> : vector<64xf32>
    %reduce_max3A_248 = vector.multi_reduction <maximumf>, %slice3A_246, %reduce_max3A_247 [1] : vector<64x256xf32> to vector<64xf32>
    %broadcast_in_dim3A_249 = vector.shape_cast %reduce_max3A_248 : vector<64xf32> to vector<64x1xf32>
    %slice3A_250 = vector.extract_strided_slice %dot_general3A_216 {offsets = [0, 2304], sizes = [64, 256], strides = [1, 1]} : vector<64x8192xf32> to vector<64x256xf32>
    %reduce_max3A_251 = arith.constant dense<0xFF800000> : vector<64xf32>
    %reduce_max3A_252 = vector.multi_reduction <maximumf>, %slice3A_250, %reduce_max3A_251 [1] : vector<64x256xf32> to vector<64xf32>
    %broadcast_in_dim3A_253 = vector.shape_cast %reduce_max3A_252 : vector<64xf32> to vector<64x1xf32>
    %slice3A_254 = vector.extract_strided_slice %dot_general3A_216 {offsets = [0, 2560], sizes = [64, 256], strides = [1, 1]} : vector<64x8192xf32> to vector<64x256xf32>
    %reduce_max3A_255 = arith.constant dense<0xFF800000> : vector<64xf32>
    %reduce_max3A_256 = vector.multi_reduction <maximumf>, %slice3A_254, %reduce_max3A_255 [1] : vector<64x256xf32> to vector<64xf32>
    %broadcast_in_dim3A_257 = vector.shape_cast %reduce_max3A_256 : vector<64xf32> to vector<64x1xf32>
    %slice3A_258 = vector.extract_strided_slice %dot_general3A_216 {offsets = [0, 2816], sizes = [64, 256], strides = [1, 1]} : vector<64x8192xf32> to vector<64x256xf32>
    %reduce_max3A_259 = arith.constant dense<0xFF800000> : vector<64xf32>
    %reduce_max3A_260 = vector.multi_reduction <maximumf>, %slice3A_258, %reduce_max3A_259 [1] : vector<64x256xf32> to vector<64xf32>
    %broadcast_in_dim3A_261 = vector.shape_cast %reduce_max3A_260 : vector<64xf32> to vector<64x1xf32>
    %slice3A_262 = vector.extract_strided_slice %dot_general3A_216 {offsets = [0, 3072], sizes = [64, 256], strides = [1, 1]} : vector<64x8192xf32> to vector<64x256xf32>
    %reduce_max3A_263 = arith.constant dense<0xFF800000> : vector<64xf32>
    %reduce_max3A_264 = vector.multi_reduction <maximumf>, %slice3A_262, %reduce_max3A_263 [1] : vector<64x256xf32> to vector<64xf32>
    %broadcast_in_dim3A_265 = vector.shape_cast %reduce_max3A_264 : vector<64xf32> to vector<64x1xf32>
    %slice3A_266 = vector.extract_strided_slice %dot_general3A_216 {offsets = [0, 3328], sizes = [64, 256], strides = [1, 1]} : vector<64x8192xf32> to vector<64x256xf32>
    %reduce_max3A_267 = arith.constant dense<0xFF800000> : vector<64xf32>
    %reduce_max3A_268 = vector.multi_reduction <maximumf>, %slice3A_266, %reduce_max3A_267 [1] : vector<64x256xf32> to vector<64xf32>
    %broadcast_in_dim3A_269 = vector.shape_cast %reduce_max3A_268 : vector<64xf32> to vector<64x1xf32>
    %slice3A_270 = vector.extract_strided_slice %dot_general3A_216 {offsets = [0, 3584], sizes = [64, 256], strides = [1, 1]} : vector<64x8192xf32> to vector<64x256xf32>
    %reduce_max3A_271 = arith.constant dense<0xFF800000> : vector<64xf32>
    %reduce_max3A_272 = vector.multi_reduction <maximumf>, %slice3A_270, %reduce_max3A_271 [1] : vector<64x256xf32> to vector<64xf32>
    %broadcast_in_dim3A_273 = vector.shape_cast %reduce_max3A_272 : vector<64xf32> to vector<64x1xf32>
    %slice3A_274 = vector.extract_strided_slice %dot_general3A_216 {offsets = [0, 3840], sizes = [64, 256], strides = [1, 1]} : vector<64x8192xf32> to vector<64x256xf32>
    %reduce_max3A_275 = arith.constant dense<0xFF800000> : vector<64xf32>
    %reduce_max3A_276 = vector.multi_reduction <maximumf>, %slice3A_274, %reduce_max3A_275 [1] : vector<64x256xf32> to vector<64xf32>
    %broadcast_in_dim3A_277 = vector.shape_cast %reduce_max3A_276 : vector<64xf32> to vector<64x1xf32>
    %slice3A_278 = vector.extract_strided_slice %dot_general3A_216 {offsets = [0, 4096], sizes = [64, 256], strides = [1, 1]} : vector<64x8192xf32> to vector<64x256xf32>
    %reduce_max3A_279 = arith.constant dense<0xFF800000> : vector<64xf32>
    %reduce_max3A_280 = vector.multi_reduction <maximumf>, %slice3A_278, %reduce_max3A_279 [1] : vector<64x256xf32> to vector<64xf32>
    %broadcast_in_dim3A_281 = vector.shape_cast %reduce_max3A_280 : vector<64xf32> to vector<64x1xf32>
    %slice3A_282 = vector.extract_strided_slice %dot_general3A_216 {offsets = [0, 4352], sizes = [64, 256], strides = [1, 1]} : vector<64x8192xf32> to vector<64x256xf32>
    %reduce_max3A_283 = arith.constant dense<0xFF800000> : vector<64xf32>
    %reduce_max3A_284 = vector.multi_reduction <maximumf>, %slice3A_282, %reduce_max3A_283 [1] : vector<64x256xf32> to vector<64xf32>
    %broadcast_in_dim3A_285 = vector.shape_cast %reduce_max3A_284 : vector<64xf32> to vector<64x1xf32>
    %slice3A_286 = vector.extract_strided_slice %dot_general3A_216 {offsets = [0, 4608], sizes = [64, 256], strides = [1, 1]} : vector<64x8192xf32> to vector<64x256xf32>
    %reduce_max3A_287 = arith.constant dense<0xFF800000> : vector<64xf32>
    %reduce_max3A_288 = vector.multi_reduction <maximumf>, %slice3A_286, %reduce_max3A_287 [1] : vector<64x256xf32> to vector<64xf32>
    %broadcast_in_dim3A_289 = vector.shape_cast %reduce_max3A_288 : vector<64xf32> to vector<64x1xf32>
    %slice3A_290 = vector.extract_strided_slice %dot_general3A_216 {offsets = [0, 4864], sizes = [64, 256], strides = [1, 1]} : vector<64x8192xf32> to vector<64x256xf32>
    %reduce_max3A_291 = arith.constant dense<0xFF800000> : vector<64xf32>
    %reduce_max3A_292 = vector.multi_reduction <maximumf>, %slice3A_290, %reduce_max3A_291 [1] : vector<64x256xf32> to vector<64xf32>
    %broadcast_in_dim3A_293 = vector.shape_cast %reduce_max3A_292 : vector<64xf32> to vector<64x1xf32>
    %slice3A_294 = vector.extract_strided_slice %dot_general3A_216 {offsets = [0, 5120], sizes = [64, 256], strides = [1, 1]} : vector<64x8192xf32> to vector<64x256xf32>
    %reduce_max3A_295 = arith.constant dense<0xFF800000> : vector<64xf32>
    %reduce_max3A_296 = vector.multi_reduction <maximumf>, %slice3A_294, %reduce_max3A_295 [1] : vector<64x256xf32> to vector<64xf32>
    %broadcast_in_dim3A_297 = vector.shape_cast %reduce_max3A_296 : vector<64xf32> to vector<64x1xf32>
    %slice3A_298 = vector.extract_strided_slice %dot_general3A_216 {offsets = [0, 5376], sizes = [64, 256], strides = [1, 1]} : vector<64x8192xf32> to vector<64x256xf32>
    %reduce_max3A_299 = arith.constant dense<0xFF800000> : vector<64xf32>
    %reduce_max3A_300 = vector.multi_reduction <maximumf>, %slice3A_298, %reduce_max3A_299 [1] : vector<64x256xf32> to vector<64xf32>
    %broadcast_in_dim3A_301 = vector.shape_cast %reduce_max3A_300 : vector<64xf32> to vector<64x1xf32>
    %slice3A_302 = vector.extract_strided_slice %dot_general3A_216 {offsets = [0, 5632], sizes = [64, 256], strides = [1, 1]} : vector<64x8192xf32> to vector<64x256xf32>
    %reduce_max3A_303 = arith.constant dense<0xFF800000> : vector<64xf32>
    %reduce_max3A_304 = vector.multi_reduction <maximumf>, %slice3A_302, %reduce_max3A_303 [1] : vector<64x256xf32> to vector<64xf32>
    %broadcast_in_dim3A_305 = vector.shape_cast %reduce_max3A_304 : vector<64xf32> to vector<64x1xf32>
    %slice3A_306 = vector.extract_strided_slice %dot_general3A_216 {offsets = [0, 5888], sizes = [64, 256], strides = [1, 1]} : vector<64x8192xf32> to vector<64x256xf32>
    %reduce_max3A_307 = arith.constant dense<0xFF800000> : vector<64xf32>
    %reduce_max3A_308 = vector.multi_reduction <maximumf>, %slice3A_306, %reduce_max3A_307 [1] : vector<64x256xf32> to vector<64xf32>
    %broadcast_in_dim3A_309 = vector.shape_cast %reduce_max3A_308 : vector<64xf32> to vector<64x1xf32>
    %slice3A_310 = vector.extract_strided_slice %dot_general3A_216 {offsets = [0, 6144], sizes = [64, 256], strides = [1, 1]} : vector<64x8192xf32> to vector<64x256xf32>
    %reduce_max3A_311 = arith.constant dense<0xFF800000> : vector<64xf32>
    %reduce_max3A_312 = vector.multi_reduction <maximumf>, %slice3A_310, %reduce_max3A_311 [1] : vector<64x256xf32> to vector<64xf32>
    %broadcast_in_dim3A_313 = vector.shape_cast %reduce_max3A_312 : vector<64xf32> to vector<64x1xf32>
    %slice3A_314 = vector.extract_strided_slice %dot_general3A_216 {offsets = [0, 6400], sizes = [64, 256], strides = [1, 1]} : vector<64x8192xf32> to vector<64x256xf32>
    %reduce_max3A_315 = arith.constant dense<0xFF800000> : vector<64xf32>
    %reduce_max3A_316 = vector.multi_reduction <maximumf>, %slice3A_314, %reduce_max3A_315 [1] : vector<64x256xf32> to vector<64xf32>
    %broadcast_in_dim3A_317 = vector.shape_cast %reduce_max3A_316 : vector<64xf32> to vector<64x1xf32>
    %slice3A_318 = vector.extract_strided_slice %dot_general3A_216 {offsets = [0, 6656], sizes = [64, 256], strides = [1, 1]} : vector<64x8192xf32> to vector<64x256xf32>
    %reduce_max3A_319 = arith.constant dense<0xFF800000> : vector<64xf32>
    %reduce_max3A_320 = vector.multi_reduction <maximumf>, %slice3A_318, %reduce_max3A_319 [1] : vector<64x256xf32> to vector<64xf32>
    %broadcast_in_dim3A_321 = vector.shape_cast %reduce_max3A_320 : vector<64xf32> to vector<64x1xf32>
    %slice3A_322 = vector.extract_strided_slice %dot_general3A_216 {offsets = [0, 6912], sizes = [64, 256], strides = [1, 1]} : vector<64x8192xf32> to vector<64x256xf32>
    %reduce_max3A_323 = arith.constant dense<0xFF800000> : vector<64xf32>
    %reduce_max3A_324 = vector.multi_reduction <maximumf>, %slice3A_322, %reduce_max3A_323 [1] : vector<64x256xf32> to vector<64xf32>
    %broadcast_in_dim3A_325 = vector.shape_cast %reduce_max3A_324 : vector<64xf32> to vector<64x1xf32>
    %slice3A_326 = vector.extract_strided_slice %dot_general3A_216 {offsets = [0, 7168], sizes = [64, 256], strides = [1, 1]} : vector<64x8192xf32> to vector<64x256xf32>
    %reduce_max3A_327 = arith.constant dense<0xFF800000> : vector<64xf32>
    %reduce_max3A_328 = vector.multi_reduction <maximumf>, %slice3A_326, %reduce_max3A_327 [1] : vector<64x256xf32> to vector<64xf32>
    %broadcast_in_dim3A_329 = vector.shape_cast %reduce_max3A_328 : vector<64xf32> to vector<64x1xf32>
    %slice3A_330 = vector.extract_strided_slice %dot_general3A_216 {offsets = [0, 7424], sizes = [64, 256], strides = [1, 1]} : vector<64x8192xf32> to vector<64x256xf32>
    %reduce_max3A_331 = arith.constant dense<0xFF800000> : vector<64xf32>
    %reduce_max3A_332 = vector.multi_reduction <maximumf>, %slice3A_330, %reduce_max3A_331 [1] : vector<64x256xf32> to vector<64xf32>
    %broadcast_in_dim3A_333 = vector.shape_cast %reduce_max3A_332 : vector<64xf32> to vector<64x1xf32>
    %slice3A_334 = vector.extract_strided_slice %dot_general3A_216 {offsets = [0, 7680], sizes = [64, 256], strides = [1, 1]} : vector<64x8192xf32> to vector<64x256xf32>
    %reduce_max3A_335 = arith.constant dense<0xFF800000> : vector<64xf32>
    %reduce_max3A_336 = vector.multi_reduction <maximumf>, %slice3A_334, %reduce_max3A_335 [1] : vector<64x256xf32> to vector<64xf32>
    %broadcast_in_dim3A_337 = vector.shape_cast %reduce_max3A_336 : vector<64xf32> to vector<64x1xf32>
    %slice3A_338 = vector.extract_strided_slice %dot_general3A_216 {offsets = [0, 7936], sizes = [64, 256], strides = [1, 1]} : vector<64x8192xf32> to vector<64x256xf32>
    %reduce_max3A_339 = arith.constant dense<0xFF800000> : vector<64xf32>
    %reduce_max3A_340 = vector.multi_reduction <maximumf>, %slice3A_338, %reduce_max3A_339 [1] : vector<64x256xf32> to vector<64xf32>
    %broadcast_in_dim3A_341 = vector.shape_cast %reduce_max3A_340 : vector<64xf32> to vector<64x1xf32>
    %concatenate3A_342 = tpu.concatenate %broadcast_in_dim3A, %broadcast_in_dim3A_221, %broadcast_in_dim3A_225, %broadcast_in_dim3A_229, %broadcast_in_dim3A_233, %broadcast_in_dim3A_237, %broadcast_in_dim3A_241, %broadcast_in_dim3A_245, %broadcast_in_dim3A_249, %broadcast_in_dim3A_253, %broadcast_in_dim3A_257, %broadcast_in_dim3A_261, %broadcast_in_dim3A_265, %broadcast_in_dim3A_269, %broadcast_in_dim3A_273, %broadcast_in_dim3A_277, %broadcast_in_dim3A_281, %broadcast_in_dim3A_285, %broadcast_in_dim3A_289, %broadcast_in_dim3A_293, %broadcast_in_dim3A_297, %broadcast_in_dim3A_301, %broadcast_in_dim3A_305, %broadcast_in_dim3A_309, %broadcast_in_dim3A_313, %broadcast_in_dim3A_317, %broadcast_in_dim3A_321, %broadcast_in_dim3A_325, %broadcast_in_dim3A_329, %broadcast_in_dim3A_333, %broadcast_in_dim3A_337, %broadcast_in_dim3A_341 in 1 : vector<64x1xf32>, vector<64x1xf32>, vector<64x1xf32>, vector<64x1xf32>, vector<64x1xf32>, vector<64x1xf32>, vector<64x1xf32>, vector<64x1xf32>, vector<64x1xf32>, vector<64x1xf32>, vector<64x1xf32>, vector<64x1xf32>, vector<64x1xf32>, vector<64x1xf32>, vector<64x1xf32>, vector<64x1xf32>, vector<64x1xf32>, vector<64x1xf32>, vector<64x1xf32>, vector<64x1xf32>, vector<64x1xf32>, vector<64x1xf32>, vector<64x1xf32>, vector<64x1xf32>, vector<64x1xf32>, vector<64x1xf32>, vector<64x1xf32>, vector<64x1xf32>, vector<64x1xf32>, vector<64x1xf32>, vector<64x1xf32>, vector<64x1xf32> -> vector<64x32xf32>
    %transpose3A = tpu.transpose %concatenate3A_342, [1, 0] : vector<64x32xf32> -> vector<32x64xf32>
    %swap3A = arith.constant 0 : index
    %swap3A_343 = arith.constant 0 : index
    %swap3A_344 = vector.load %arg5[%swap3A, %swap3A_343] : memref<32x64xf32, #tpu.memory_space<vmem>>, vector<32x64xf32>
    tpu.vector_store %arg5[%swap3A, %swap3A_343], %transpose3A {strides = array<i32>} : memref<32x64xf32, #tpu.memory_space<vmem>>, vector<32x64xf32>,
    return
  }
  func.func @transform_0(%arg0: i32) -> (i32, i32, i32) {
    %c0_i32 = arith.constant 0 : i32
    %c0_i32_0 = arith.constant 0 : i32
    %c0_i32_1 = arith.constant 0 : i32
    return %arg0, %c0_i32, %c0_i32_0 : i32, i32, i32
  }
  func.func @transform_1(%arg0: i32) -> (i32, i32) {
    %c0_i32 = arith.constant 0 : i32
    %c0_i32_0 = arith.constant 0 : i32
    %c0_i32_1 = arith.constant 0 : i32
    return %c0_i32, %c0_i32_0 : i32, i32
  }
  func.func @transform_2(%arg0: i32) -> (i32, i32) {
    %c0_i32 = arith.constant 0 : i32
    %c0_i32_0 = arith.constant 0 : i32
    %c0_i32_1 = arith.constant 0 : i32
    return %c0_i32, %c0_i32_0 : i32, i32
  }
  func.func @transform_3(%arg0: i32) -> (i32, i32) {
    %c0_i32 = arith.constant 0 : i32
    %c0_i32_0 = arith.constant 0 : i32
    %c0_i32_1 = arith.constant 0 : i32
    return %c0_i32, %c0_i32_0 : i32, i32
  }
  func.func @transform_4(%arg0: i32) -> (i32, i32) {
    %c0_i32 = arith.constant 0 : i32
    %c0_i32_0 = arith.constant 0 : i32
    return %arg0, %c0_i32 : i32, i32
  }
}

module attributes {stable_mosaic.version = 14 : i64} {
  func.func @_dec_body(%arg0: memref<1024x64xf32, #tpu.memory_space<vmem>>, %arg1: memref<1024x64xf32, #tpu.memory_space<vmem>>, %arg2: memref<64x128xf32, #tpu.memory_space<vmem>>, %arg3: memref<1x128xf32, #tpu.memory_space<vmem>>, %arg4: memref<128x64xf32, #tpu.memory_space<vmem>>, %arg5: memref<1x64xf32, #tpu.memory_space<vmem>>, %arg6: memref<64x128xf32, #tpu.memory_space<vmem>>, %arg7: memref<1x128xf32, #tpu.memory_space<vmem>>, %arg8: memref<1024x128xf32, #tpu.memory_space<vmem>>, %arg9: memref<1x1xf32, #tpu.memory_space<smem>>) attributes {dimension_semantics = [], scalar_prefetch = 0 : i64, scratch_operands = 0 : i64, tpu.core_type = #tpu.core_type<tc>} {
    %get3A = arith.constant 0 : index
    %get3A_0 = arith.constant 0 : index
    %get3A_1 = vector.load %arg0[%get3A, %get3A_0] : memref<1024x64xf32, #tpu.memory_space<vmem>>, vector<1024x64xf32>
    %get3A_2 = arith.constant 0 : index
    %get3A_3 = arith.constant 0 : index
    %get3A_4 = vector.load %arg1[%get3A_2, %get3A_3] : memref<1024x64xf32, #tpu.memory_space<vmem>>, vector<1024x64xf32>
    %sub3A = arith.subf %get3A_4, %get3A_1 : vector<1024x64xf32>
    %mul3A = arith.mulf %sub3A, %sub3A : vector<1024x64xf32>
    %reduce_sum3A = vector.shape_cast %mul3A : vector<1024x64xf32> to vector<1x1024x64xf32>
    %reduce_sum3A_5 = arith.constant dense<0.000000e+00> : vector<1xf32>
    %reduce_sum3A_6 = vector.multi_reduction <add>, %reduce_sum3A, %reduce_sum3A_5 [1, 2] : vector<1x1024x64xf32> to vector<1xf32>
    %reduce_sum3A_7 = vector.shape_cast %reduce_sum3A_6 : vector<1xf32> to vector<1x1x1xf32>
    %reduce_sum3A_8 = vector.extract %reduce_sum3A_7[0, 0, 0] : f32 from vector<1x1x1xf32>
    %mul3A_9 = arith.constant 1.250000e+00 : f32
    %mul3A_10 = arith.mulf %mul3A_9, %reduce_sum3A_8 : f32
    %div3A = arith.constant 6.553600e+04 : f32
    %div3A_11 = arith.divf %mul3A_10, %div3A : f32
    %swap3A = arith.constant 0 : index
    %swap3A_12 = arith.constant 0 : index
    %swap3A_13 = memref.load %arg9[%swap3A, %swap3A_12] : memref<1x1xf32, #tpu.memory_space<smem>>
    memref.store %div3A_11, %arg9[%swap3A, %swap3A_12] : memref<1x1xf32, #tpu.memory_space<smem>>
    %get3A_14 = arith.constant 0 : index
    %get3A_15 = arith.constant 0 : index
    %get3A_16 = vector.load %arg2[%get3A_14, %get3A_15] : memref<64x128xf32, #tpu.memory_space<vmem>>, vector<64x128xf32>
    %convert_element_type3A = arith.truncf %get3A_4 : vector<1024x64xf32> to vector<1024x64xbf16>
    %convert_element_type3A_17 = arith.truncf %get3A_16 : vector<64x128xf32> to vector<64x128xbf16>
    %dot_general3A = arith.constant dense<0.000000e+00> : vector<1024x128xf32>
    %dot_general3A_18 = tpu.matmul %convert_element_type3A, %convert_element_type3A_17, %dot_general3A {dimension_numbers = #tpu.dot_dimension_numbers<[1], [0], [0], [1], [0, 0, 1, 1], [], []>, transpose_lhs_hint = false} : vector<1024x64xbf16>, vector<64x128xbf16>, vector<1024x128xf32> -> vector<1024x128xf32>
    %get3A_19 = arith.constant 0 : index
    %get3A_20 = arith.constant 0 : index
    %get3A_21 = vector.load %arg3[%get3A_19, %get3A_20] : memref<1x128xf32, #tpu.memory_space<vmem>>, vector<1x128xf32>
    %add3A = vector.broadcast %get3A_21 : vector<1x128xf32> to vector<1024x128xf32>
    %add3A_22 = arith.addf %dot_general3A_18, %add3A : vector<1024x128xf32>
    %ge3A = arith.constant 0.000000e+00 : f32
    %ge3A_23 = vector.broadcast %ge3A : f32 to vector<1024x128xf32>
    %ge3A_24 = arith.cmpf oge, %add3A_22, %ge3A_23 : vector<1024x128xf32>
    %mul3A_25 = arith.constant 1.000000e-03 : f32
    %mul3A_26 = vector.broadcast %mul3A_25 : f32 to vector<1024x128xf32>
    %mul3A_27 = arith.mulf %mul3A_26, %add3A_22 : vector<1024x128xf32>
    %select_n3A = arith.select %ge3A_24, %add3A_22, %mul3A_27 : vector<1024x128xi1>, vector<1024x128xf32>
    %get3A_28 = arith.constant 0 : index
    %get3A_29 = arith.constant 0 : index
    %get3A_30 = vector.load %arg4[%get3A_28, %get3A_29] : memref<128x64xf32, #tpu.memory_space<vmem>>, vector<128x64xf32>
    %convert_element_type3A_31 = arith.truncf %select_n3A : vector<1024x128xf32> to vector<1024x128xbf16>
    %convert_element_type3A_32 = arith.truncf %get3A_30 : vector<128x64xf32> to vector<128x64xbf16>
    %dot_general3A_33 = arith.constant dense<0.000000e+00> : vector<1024x64xf32>
    %dot_general3A_34 = tpu.matmul %convert_element_type3A_31, %convert_element_type3A_32, %dot_general3A_33 {dimension_numbers = #tpu.dot_dimension_numbers<[1], [0], [0], [1], [0, 0, 1, 1], [], []>, transpose_lhs_hint = false} : vector<1024x128xbf16>, vector<128x64xbf16>, vector<1024x64xf32> -> vector<1024x64xf32>
    %get3A_35 = arith.constant 0 : index
    %get3A_36 = arith.constant 0 : index
    %get3A_37 = vector.load %arg5[%get3A_35, %get3A_36] : memref<1x64xf32, #tpu.memory_space<vmem>>, vector<1x64xf32>
    %add3A_38 = vector.broadcast %get3A_37 : vector<1x64xf32> to vector<1024x64xf32>
    %add3A_39 = arith.addf %dot_general3A_34, %add3A_38 : vector<1024x64xf32>
    %ge3A_40 = arith.constant 0.000000e+00 : f32
    %ge3A_41 = vector.broadcast %ge3A_40 : f32 to vector<1024x64xf32>
    %ge3A_42 = arith.cmpf oge, %add3A_39, %ge3A_41 : vector<1024x64xf32>
    %mul3A_43 = arith.constant 1.000000e-03 : f32
    %mul3A_44 = vector.broadcast %mul3A_43 : f32 to vector<1024x64xf32>
    %mul3A_45 = arith.mulf %mul3A_44, %add3A_39 : vector<1024x64xf32>
    %select_n3A_46 = arith.select %ge3A_42, %add3A_39, %mul3A_45 : vector<1024x64xi1>, vector<1024x64xf32>
    %get3A_47 = arith.constant 0 : index
    %get3A_48 = arith.constant 0 : index
    %get3A_49 = vector.load %arg6[%get3A_47, %get3A_48] : memref<64x128xf32, #tpu.memory_space<vmem>>, vector<64x128xf32>
    %convert_element_type3A_50 = arith.truncf %select_n3A_46 : vector<1024x64xf32> to vector<1024x64xbf16>
    %convert_element_type3A_51 = arith.truncf %get3A_49 : vector<64x128xf32> to vector<64x128xbf16>
    %dot_general3A_52 = arith.constant dense<0.000000e+00> : vector<1024x128xf32>
    %dot_general3A_53 = tpu.matmul %convert_element_type3A_50, %convert_element_type3A_51, %dot_general3A_52 {dimension_numbers = #tpu.dot_dimension_numbers<[1], [0], [0], [1], [0, 0, 1, 1], [], []>, transpose_lhs_hint = false} : vector<1024x64xbf16>, vector<64x128xbf16>, vector<1024x128xf32> -> vector<1024x128xf32>
    %get3A_54 = arith.constant 0 : index
    %get3A_55 = arith.constant 0 : index
    %get3A_56 = vector.load %arg7[%get3A_54, %get3A_55] : memref<1x128xf32, #tpu.memory_space<vmem>>, vector<1x128xf32>
    %add3A_57 = vector.broadcast %get3A_56 : vector<1x128xf32> to vector<1024x128xf32>
    %add3A_58 = arith.addf %dot_general3A_53, %add3A_57 : vector<1024x128xf32>
    %swap3A_59 = arith.constant 0 : index
    %swap3A_60 = arith.constant 0 : index
    %swap3A_61 = vector.load %arg8[%swap3A_59, %swap3A_60] : memref<1024x128xf32, #tpu.memory_space<vmem>>, vector<1024x128xf32>
    tpu.vector_store %arg8[%swap3A_59, %swap3A_60], %add3A_58 {strides = array<i32>} : memref<1024x128xf32, #tpu.memory_space<vmem>>, vector<1024x128xf32>,
    return
  }
}

</mosaic_0001>

<sc_bundles>
// kernel: kernel.6.cloned.1.call-start
scs
__scs_entry_jumppad:
0x0: {  	(pc) =	sbr.rel $0x88, $3  }
0x1: {  	(tag) =	ssettag $0x0;
	lr =	simm.s32 $0x1  }
0x2: {  	[smem:$0x3F96] =	sst lr;
	_ =	strace $0xD0000000  }
0x3: {  	_ = 	snop  }
0x4: {  	_ = 	snop  }
0x5: {  	_ = 	snop  }
0x6: {  	_ = 	snop  }
0x7: {  	_ = 	snop  }
__scs_overlays_trampoline_lowered:
0x8: {  	[smem:$0x3FA5] =	sst s0  }
0x9: {  	[smem:$0x3FA6] =	sst s1  }
0xa: {  	[smem:$0x3FA7] =	sst s2  }
0xb: {  	[smem:$0x3FA8] =	sst s3  }
0xc: {  	[smem:$0x3FA9] =	sst s4  }
0xd: {  	[smem:$0x3FAA] =	sst s5  }
0xe: {  	[smem:$0x3FAB] =	sst s6  }
0xf: {  	[smem:$0x3FAC] =	sst s7  }
0x10: {  	[smem:$0x3FAD] =	sst s8  }
0x11: {  	[smem:$0x3FAE] =	sst s9;
	s0 =	simm.s32 @!p0 $0x0  }
0x12: {  	s1 =	sld [smem:$0x3F94];
	s0 =	simm.s32 @p0 $0x1  }
0x13: {  	[smem:$0x3FAF] =	sst s0;
	s0 =	simm.s32 @!p1 $0x0  }
0x14: {  	s2 =	sld [smem:$0x3F93];
	s0 =	simm.s32 @p1 $0x1  }
0x15: {  	[smem:$0x3FB0] =	sst s0;
	s0 =	simm.s32 @!p2 $0x0  }
0x16: {  	s3 =	sld [smem:$0x3FDB];
	s0 =	simm.s32 @p2 $0x1  }
0x17: {  	s4 =	simm.s32 $0x1BF5;
	[smem:$0x3FB2] =	sst s0  }
0x18: {  	s0 =	sld [smem:$0x3F95];
	_ =	swait.ge [sflag:s4], $0x0  }
0x19: {  	s7 =	sld [smem:$0x3F96]  }
0x1a: {  	s8 =	sadd.s32 $0xFFFFE003, lr  }
0x1b: {  	s9 =	sadd.s32 $0xFFFFFEF7, lr;
	s5 =	simm.s32 $0xFFFFFFFF;
	p2 =	slt.u32 s8, $0xFFFFF086  }
0x1c: {  	p1 =	slt.u32 s9, $0xF7A;
	s5 =	simm.s32 @!p2 $0x0  }
0x1d: {  	s5 =	simm.s32 @p1 $0x1;
	p0 =	seq.s32 s7, s2  }
0x1e: {  	s7 =	smul.u32 @!p0 $0xF7A, s2;
	p2 =	seq.s32 @!p0 s5, $0x0  }
0x1f: {  	s9 =	smul.u32 $0xF7A, s1;
	s8 =	simm.s32 @!p0 $0x1BF5;
	p2 =	por !p2, p0  }
0x20: {  	[sflag:s8] =	ssyncset.s32 @!p0 $0xFFFFF086;
	s6 =	sadd.s32 @!p0 s3, s7;
	s7 =	simm.s32 @!p0 $0x108  }
0x21: {  	s3 =	sadd.s32 s3, s9;
	s6 =	sadd.s32 @!p0 $0x88, s6;
	s7 =	simm.s32 @p2 $0x1082  }
0x22: {  	[simem:s7], [sflag:s8] =	dma.local @!p0 [hbm:s6], $0xF7A  }
0x23: {  	s9 =	sor.u32 $0xD0000000, s2;
	s6 =	simm.s32 $0x108;
	_ =	swait.ge @!p0 [sflag:s8], $0x0  }
0x24: {  	s3 =	sadd.s32 $0x88, s3;
	s6 =	simm.s32 @!p1 $0x1082;
	[sflag:s4] =	ssyncset.s32 $0xFFFFF086  }
0x25: {  	[simem:s6], [sflag:s4] =	dma.local [hbm:s3], $0xF7A  }
0x26: {  	[smem:$0x3F96] =	sst s1;
	(tag) =	ssettag s2;
	_ =	strace s9  }
0x27: {  	s1 =	sld [smem:$0x3FA6]  }
0x28: {  	s2 =	sld [smem:$0x3FA7]  }
0x29: {  	s4 =	sld [smem:$0x3FA9]  }
0x2a: {  	p0 =	seq.s32 s5, $0x0;
	s5 =	sld [smem:$0x3FAA]  }
0x2b: {  	s6 =	sld [smem:$0x3FAB]  }
0x2c: {  	s7 =	sld [smem:$0x3FAC]  }
0x2d: {  	s3 =	simm.s32 $0x108;
	s8 =	sld [smem:$0x3FAD]  }
0x2e: {  	s3 =	simm.s32 @!p0 $0x1082;
	s9 =	sld [smem:$0x3FAE]  }
0x2f: {  	lr =	sadd.s32 s0, s3;
	s0 =	sld [smem:$0x3FA5]  }
0x30: {  	s3 =	sld [smem:$0x3FA8]  }
0x31: {  	[smem:$0x3FB1] =	sst s10  }
0x32: {  	s10 =	sld [smem:$0x3FAF];
	_ =	sdelay $0x3  }
0x33: {  	p0 =	seq.s32 s10, $0x1;
	s10 =	sld [smem:$0x3FB1];
	_ =	sdelay $0x3  }
0x34: {  	[smem:$0x3FB1] =	sst s10  }
0x35: {  	s10 =	sld [smem:$0x3FB0];
	_ =	sdelay $0x3  }
0x36: {  	p1 =	seq.s32 s10, $0x1;
	s10 =	sld [smem:$0x3FB1];
	_ =	sdelay $0x3  }
0x37: {  	[smem:$0x3FB1] =	sst s10  }
0x38: {  	s10 =	sld [smem:$0x3FB2]  }
0x39: {  	_ = 	snop;
	(pc) =	sbr.ind lr, $3  }
0x3a: {  	_ = 	snop  }
0x3b: {  	_ = 	snop  }
0x3c: {  	p2 =	seq.s32 s10, $0x1;
	s10 =	sld [smem:$0x3FB1]  }
0x3d: {  	_ =	shalt  }
0x3e: {  	_ =	shalt  }
0x3f: {  	_ =	shalt  }
0x40: {  	_ =	shalt  }
0x41: {  	_ =	shalt  }
0x42: {  	_ =	shalt  }
0x43: {  	_ =	shalt  }
0x44: {  	_ =	shalt  }
0x45: {  	_ =	shalt  }
0x46: {  	_ =	shalt  }
0x47: {  	_ =	shalt  }
0x48: {  	_ =	shalt  }
0x49: {  	_ =	shalt  }
0x4a: {  	_ =	shalt  }
0x4b: {  	_ =	shalt  }
0x4c: {  	_ =	shalt  }
0x4d: {  	_ =	shalt  }
0x4e: {  	_ =	shalt  }
0x4f: {  	_ =	shalt  }
0x50: {  	_ =	shalt  }
0x51: {  	_ =	shalt  }
0x52: {  	_ =	shalt  }
0x53: {  	_ =	shalt  }
0x54: {  	_ =	shalt  }
0x55: {  	_ =	shalt  }
0x56: {  	_ =	shalt  }
0x57: {  	_ =	shalt  }
0x58: {  	_ =	shalt  }
0x59: {  	_ =	shalt  }
0x5a: {  	_ =	shalt  }
0x5b: {  	_ =	shalt  }
0x5c: {  	_ =	shalt  }
0x5d: {  	_ =	shalt  }
0x5e: {  	_ =	shalt  }
0x5f: {  	_ =	shalt  }
0x60: {  	_ =	shalt  }
0x61: {  	_ =	shalt  }
0x62: {  	_ =	shalt  }
0x63: {  	_ =	shalt  }
0x64: {  	_ =	shalt  }
0x65: {  	_ =	shalt  }
0x66: {  	_ =	shalt  }
0x67: {  	_ =	shalt  }
0x68: {  	_ =	shalt  }
0x69: {  	_ =	shalt  }
0x6a: {  	_ =	shalt  }
0x6b: {  	_ =	shalt  }
0x6c: {  	_ =	shalt  }
0x6d: {  	_ =	shalt  }
0x6e: {  	_ =	shalt  }
0x6f: {  	_ =	shalt  }
0x70: {  	_ =	shalt  }
0x71: {  	_ =	shalt  }
0x72: {  	_ =	shalt  }
0x73: {  	_ =	shalt  }
0x74: {  	_ =	shalt  }
0x75: {  	_ =	shalt  }
0x76: {  	_ =	shalt  }
0x77: {  	_ =	shalt  }
0x78: {  	_ =	shalt  }
0x79: {  	_ =	shalt  }
0x7a: {  	_ =	shalt  }
0x7b: {  	_ =	shalt  }
0x7c: {  	_ =	shalt  }
0x7d: {  	_ =	shalt  }
0x7e: {  	_ =	shalt  }
0x7f: {  	_ =	shalt  }
0x80: {  	_ =	shalt  }
0x81: {  	_ =	shalt  }
0x82: {  	_ =	shalt  }
0x83: {  	_ =	shalt  }
0x84: {  	_ =	shalt  }
0x85: {  	_ =	shalt  }
0x86: {  	_ =	shalt  }
0x87: {  	_ =	shalt  }
.Lfunc_end0:
.L_simem_size_0:
called_computation_lowered:
.L_overlay_start_0:
0x88: {  	s2 =	sld [smem:$0x3FD9]  }
0x89: {  	s3 =	sld [smem:$0x3FFE];
	_ =	sdelay $0x1  }
0x8a: {  	s1 =	srdreg.scid  }
0x8b: {  	s0 =	sand.u32 $0x1, s1  }
0x8c: {  	s14 =	sshll.u32 s0, $0xA;
	s2 =	sadd.s32 s3, s2  }
0x8d: {  	s2 =	sadd.s32 s2, s14  }
0x8e: {  	[smem:$0x3FBD] =	sst s2  }
0x8f: {  	_ = 	snop  }
0x90: {  	s2 =	sld [smem:$0x3FD0];
	_ =	sdelay $0x2  }
0x91: {  	s15 =	simm.s32 $0xA;
	s4 =	simm.s32 $0x10  }
0x92: {  	[smem:s4], [sflag:s15] =	dma.local [hbm:s2], $0x1  }
0x93: {  	_ =	swait.eq [sflag:s15], $0x1  }
0x94: {  	[sflag:s15] =	ssyncset.done $0x0  }
0x95: {  	[sflag:s15] =	ssyncadd.s32 $0xFFFFFFFF  }
0x96: {  	s16 =	sld [smem:$0x10];
	(tm) =	ssettm $0x1  }
0x97: {  	s17 =	sld [smem:$0x3FFB];
	_ =	sdelay $0x3  }
0x98: {  	_ =	strace s17  }
0x99: {  	s3 =	sld [smem:$0x3FFC];
	_ =	sdelay $0x3  }
0x9a: {  	_ =	strace s3  }
0x9b: {  	s3 =	sld [smem:$0x3FFD];
	_ =	sdelay $0x3  }
0x9c: {  	_ =	strace s3  }
0x9d: {  	_ =	strace $0x8FFFFFFF  }
0x9e: {  	s18 =	sld [smem:$0x3FDB];
	_ =	sdelay $0x1  }
0x9f: {  	s19 =	simm.s32 $_scs_section_size  }
0xa0: {  	s5 =	simm.s32 $_size__tile_overlayer_lowered;
	s6 =	simm.s32 $_tile_overlayer_lowered  }
0xa1: {  	s22 =	simm.s32 $0x1BFF;
	s21 =	sshll.u32 s6, $0x1;
	s3 =	sadd.s32 s19, s18  }
0xa2: {  	s7 =	simm.s32 $0x0;
	s20 =	sshll.u32 s5, $0x1;
	s5 =	sadd.s32 s21, s3  }
0xa3: {  	[timem:s7], [sflag:s22] =	dma.local [hbm:s5], s20  }
0xa4: {  	_ =	swait.ge [sflag:s22], s20  }
0xa5: {  	s4 =	ssub.s32 $0x0, s20;
	[sflag:s22] =	ssyncset.done $0x0  }
0xa6: {  	[sflag:s22] =	ssyncadd.s32 s4;
	_ =	sdelay $0x1  }
0xa7: {  	s23 =	simm.s32 $0x1B8B  }
0xa8: {  	_ =	swait.ge [sflag:s23], $0x1  }
0xa9: {  	[sflag:s23] =	ssyncset.done $0x0  }
0xaa: {  	s25 =	simm.s32 $0x1B8E;
	s24 =	sld [smem:$0x3FFE];
	[sflag:s23] =	ssyncadd.s32 $0xFFFFFFFF  }
0xab: {  	s26 =	simm.s32 $execute0_lowered;
	[smem:$0x3FD2] =	sst s25  }
0xac: {  	s5 =	sshll.u32 s26, $0x1;
	_ =	strace $0x80000046;
	[dreg:$0x1] =	wrdreg $0xFFFFFFFF  }
0xad: {  	s28 =	simm.s32 $_size_execute0_lowered;
	s3 =	sadd.s32 s3, s5;
	[dreg:$0x0] =	wrdreg $0x0  }
0xae: {  	s5 =	sshll.u32 s28, $0x1;
	[dreg:$0x2] =	wrdreg s3  }
0xaf: {  	[dreg:$0x3] =	wrdreg s5  }
0xb0: {  	[dreg:$0x4] =	wrdreg $0xC0  }
0xb1: {  	_ =	task [dreg:s7], $0x5FFFF  }
0xb2: {  	[dreg:$0x1] =	wrdreg $0xFFFFFFFF  }
0xb3: {  	[dreg:$0x0] =	wrdreg $0x60  }
0xb4: {  	[dreg:$0x2] =	wrdreg s24  }
0xb5: {  	[dreg:$0x3] =	wrdreg s16  }
0xb6: {  	[dreg:$0x4] =	wrdreg $0x9  }
0xb7: {  	_ =	task.clear_ibuf [dreg:s7], $0x5FFFF;
	_ =	strace $0x90000046  }
0xb8: {  	s29 =	simm.s32 $0x9;
	_ =	strace $0x80000048  }
0xb9: {  	_ =	swait.ge [sflag:s29], $0x1  }
0xba: {  	[sflag:s29] =	ssyncadd.s32 $0xFFFFFFFF  }
0xbb: {  	_ =	strace $0x90000048  }
0xbc: {  	_ =	sfence  }
0xbd: {  	s30 =	sld [smem:$0x0];
	_ =	sdelay $0x2  }
0xbe: {  	s31 =	sshll.u32 s1, $0xD;
	s1 =	sshrl.u32 s1, $0x2  }
0xbf: {  	s3 =	sand.u32 $0x4000, s31;
	s1 =	sadd.s32 s1, s30  }
0xc0: {  	s0 =	sor.u32 s3, s0;
	s1 =	sshll.u32 s1, $0x11  }
0xc1: {  	s0 =	sor.u32 s1, s0  }
0xc2: {  	s0 =	sadd.s32 $0x8F2B, s0  }
0xc3: {  	[sflag:s0] =	ssyncadd.remote.s32 $0x1  }
0xc4: {  	_ =	sfence.sel $0xFFFF  }
0xc5: {  	[dreg:$0x0] =	wrdreg $0xFFFFFFFF;
	(pc) =	sbr.abs _section_cstart, $3  }
0xc6: {  	[dreg:$0x1] =	wrdreg $0xFFFFFFFF  }
0xc7: {  	_ =	task.clear_ibuf [dreg:s7], $0x2FFFF;
	_ =	strace $0x9FFFFFFF  }
0xc8: {  	(tm) =	ssettm $0x7FFFFFFF  }
0xc9: {  	_ =	shalt  }
tec
execute0_lowered:
.L_overlay_start_1:
0x0: {  	(tag) =	ssettag $0x1  }
0x1: {  	s1 =	srdreg.scid  }
0x2: {  	s0 =	stileid.u32;
	s6 =	sand.u32 $0x1, s1  }
0x3: {  	s5 =	rddreg [dreg:$0x0];
	s30 =	sshll.u32 s0, $0x6;
	s2 =	sshll.u32 s6, $0x5  }
0x4: {  	s8 =	rddreg [dreg:$0x1];
	s9 =	sor.u32 s2, s30  }
0x5: {  	s1 =	rddreg [dreg:$0x2];
	s2 =	simm.s32 $0x0;
	s3 =	sshrl.u32 s9, $0x3  }
0x6: {  	s10 =	ssub.s32 $0x2, s6;
	[smem:$0x7FF] =	sst s2;
	s3 =	sadd.s32 s3, s5  }
0x7: {  	_ =	strace $0x80000047;
	s4 =	sadd.s32 $0x11000, s3;
	s3 =	simm.s32 $0x2  }
0x8: {  	[tilespmem:s2], [sflag:$0x2] =	stream.linear.gather [hbm4b:s4+s2], $0x20, $0x38;
	[tilespmem:$0x820] =	vst v63  }
0x9: {  	s7 =	simm.s32 $0x1;
	s11 =	sshrl.u32 s10, $0x1;
	_ =	swait.ge [sflag:s3], $0x20  }
0xa: {  	s6 =	simm.s32 $0x20;
	s10 =	ssub.s32 s10, s11;
	[sflag:s3] =	ssyncset.done $0x0  }
0xb: {  	s5 =	sadd.s32 $0x1000, s5;
	s31 =	smax.u32 s10, $0x1;
	[sflag:s3] =	ssyncadd.s32 $0xFFFFFFE0  }
0xc: {  	[tilespmem:s6], [sflag:$0x1] =	stream.indirect.gather [hbm4b:s5+s6], $0x40, s2, s6, $0xb8;
	[tilespmem:$0x820] =	vst v63  }
0xd: {  	p0 =	sne.s32 s31, $0x1;
	_ =	swait.ge [sflag:s7], $0x800  }
.Ltmp0:
0xe: {  	s9 =	sshll.u32 s9, $0x3;
	[sflag:s7] =	ssyncset.done $0x0;
	(pc) =	sbr.rel @!p0 .LBB2_2-.Ltmp0, $4  }
0xf: {  	s8 =	sadd.s32 s8, s9;
	[sflag:s7] =	ssyncadd.s32 $0xFFFFF800  }
0x10: {  	[hbm4b:s8+s2] =	stream.linear.scatter [tilespmem:s6], [sflag:$0x2], $0x800, $0x38;
	[tilespmem:$0x820] =	vst v63  }
0x11: {  	_ =	swait.ge [sflag:s3], $0x800  }
0x12: {  	s9 =	sadd.s32 $0xFFFFFFFF, s31;
	[sflag:s3] =	ssyncset.done $0x0  }
.LBB2_1:
0x13: {  	p0 =	sne.s32 s9, $0x1;
	s9 =	sadd.s32 $0xFFFFFFFF, s9;
	[sflag:s3] =	ssyncadd.s32 $0xFFFFF800  }
0x14: {  	[tilespmem:s2], [sflag:$0x2] =	stream.linear.gather [hbm4b:s4+s2], $0x20, $0x38;
	[tilespmem:$0x820] =	vst v63  }
0x15: {  	_ =	swait.ge [sflag:s3], $0x20  }
0x16: {  	[sflag:s3] =	ssyncset.done $0x0  }
0x17: {  	[sflag:s3] =	ssyncadd.s32 $0xFFFFFFE0  }
0x18: {  	[tilespmem:s6], [sflag:$0x1] =	stream.indirect.gather [hbm4b:s5+s6], $0x40, s2, s6, $0xb8;
	[tilespmem:$0x820] =	vst v63  }
0x19: {  	_ =	swait.ge [sflag:s7], $0x800  }
.Ltmp1:
0x1a: {  	[sflag:s7] =	ssyncset.done $0x0;
	(pc) =	sbr.rel @p0 .LBB2_1-.Ltmp1, $4  }
0x1b: {  	[sflag:s7] =	ssyncadd.s32 $0xFFFFF800  }
0x1c: {  	[hbm4b:s8+s2] =	stream.linear.scatter [tilespmem:s6], [sflag:$0x2], $0x800, $0x38;
	[tilespmem:$0x820] =	vst v63  }
0x1d: {  	_ =	swait.ge [sflag:s3], $0x800  }
0x1e: {  	[sflag:s3] =	ssyncset.done $0x0  }
.LBB2_2:
0x1f: {  	[sflag:s3] =	ssyncadd.s32 $0xFFFFF800  }
0x20: {  	_ =	sfence.sel $0x180000  }
0x21: {  	[bflag:$0x0] =	sbarrier.arrive $0xFFFF  }
0x22: {  	p0 =	sne.s32 s0, $0x0;
	_ =	strace $0x90000047  }
0x23: {  	s0 =	sadd.s32 @!p0 $0x100000, s1;
	[bflag:$0x2] =	sbarrier.arrive $0xFFFF  }
0x24: {  	[sflag:s0] =	ssyncadd.tile.s32 @!p0 $0x1;
	_ =	shalt  }
.Lfunc_end2:
_tile_overlayer_lowered:
.L_overlay_start_2:
0x25: {  	(tag) =	ssettag $0x2  }
0x26: {  	s0 =	rddreg [dreg:$0x0];
	s2 =	stileid.u32  }
0x27: {  	s1 =	rddreg [dreg:$0x1];
	p0 =	sne.s32 s2, $0x0  }
0x28: {  	s3 =	rddreg [dreg:$0x2];
	[bflag:$0x3] =	sbarrier.arrive $0xFFFF;
	s2 =	simm.s32 @!p0 $0x1C02  }
0x29: {  	[timem:s3], [sflag:s2] =	dma.local @!p0 [hbm:s0], s1  }
0x2a: {  	s0 =	simm.s32 @!p0 $0x2  }
0x2b: {  	_ =	swait.ge @!p0 [sflag:s0], s1  }
0x2c: {  	s1 =	ssub.s32 @!p0 $0x0, s1;
	[sflag:s0] =	ssyncset.done @!p0 $0x0  }
0x2d: {  	[sflag:s0] =	ssyncadd.s32 @!p0 s1  }
0x2e: {  	[bflag:$0x3] =	sbarrier.arrive $0xFFFF  }
0x2f: {  	_ =	shalt  }

</sc_bundles>
